<compile_context>
chip_gen: v7x
topology: tpu7x:2x2x1
jax: 0.10.2.dev20260603
libtpu: 0.0.44.dev20260713+nightly
codegen_flags: <defaults>
</compile_context>

<pallas_src>
import functools

import jax
import jax.numpy as jnp
from jax import lax
from jax.experimental import pallas as pl
from jax.experimental.pallas import tpu as pltpu
from jax.experimental.pallas import tpu_sc as plsc

_MEAN = 3.5
_VOCAB = 1000
_BATCH = 16384
_TBL = 1008

_info = plsc.get_sparse_core_info()
_NC, _NS, _L = _info.num_cores, _info.num_subcores, _info.num_lanes
_NW = _NC * _NS
_CHUNK = _BATCH // _NW

_mesh = plsc.VectorSubcoreMesh(core_axis_name="c", subcore_axis_name="s")


@functools.partial(
    pl.kernel,
    mesh=_mesh,
    out_type=jax.ShapeDtypeStruct((_BATCH,), jnp.float32),
    compiler_params=pltpu.CompilerParams(
        needs_layout_passes=False,
        disable_bounds_checks=True,
        disable_semaphore_checks=True,
        skip_device_barrier=True,
    ),
    scratch_types=[
        pltpu.VMEM((_CHUNK,), jnp.int32),
        pltpu.VMEM((_CHUNK,), jnp.int32),
        pltpu.VMEM((2 * _TBL,), jnp.float32),
        pltpu.VMEM((_CHUNK,), jnp.float32),
        pltpu.SemaphoreType.DMA,
    ],
)
def _mean_model_sc(uid_hbm, mid_hbm, tbl_hbm, out_hbm,
                   uid_v, mid_v, tbl_v, out_v, sem):
    wid = lax.axis_index("s") * _NC + lax.axis_index("c")
    base = wid * _CHUNK
    cp_t = pltpu.async_copy(tbl_hbm, tbl_v, sem)
    cp_u = pltpu.async_copy(uid_hbm.at[pl.ds(base, _CHUNK)], uid_v, sem)
    cp_m = pltpu.async_copy(mid_hbm.at[pl.ds(base, _CHUNK)], mid_v, sem)
    cp_t.wait()
    cp_u.wait()
    cp_m.wait()

    for i in range(_CHUNK // _L):
        sl = pl.ds(i * _L, _L)
        u = uid_v[sl]
        m = mid_v[sl]
        iu = jnp.where((u >= 0) & (u < _VOCAB), u + 1, 0)
        im = jnp.where((m >= 0) & (m < _VOCAB), m + 1, 0)
        eu = plsc.load_gather(tbl_v, [iu])
        em = plsc.load_gather(tbl_v, [im + _TBL])
        out_v[sl] = eu + em + jnp.float32(_MEAN)

    pltpu.sync_copy(out_v, out_hbm.at[pl.ds(base, _CHUNK)])


def kernel(userId, movieId, user_table, movie_table):
    uid = userId.reshape(_BATCH)
    mid = movieId.reshape(_BATCH)
    pad = jnp.zeros((_TBL - _VOCAB - 1,), jnp.float32)
    tbl = jnp.concatenate(
        [user_table.reshape(-1), pad, movie_table.reshape(-1), pad])
    out = _mean_model_sc(uid, mid, tbl)
    return out.reshape(_BATCH, 1, 1)

# --- scband reference (transcript-rebuilt; emitter-appended) ---
"""Pipeline reference for scband-mean-model-8478265442691 (READ-ONLY COPY).

The authoritative reference and input builder live on the scoring server;
editing this copy changes nothing except your own understanding.
"""

import jax, jax.numpy as jnp
import numpy as np

MEAN = 3.5
VOCAB = 1000
BATCH = 16384


def _integer_lookup(ids, vocab):
    # Keras IntegerLookup with vocabulary=[0..vocab-1], num_oov_indices=1:
    # known id v maps to index v+1; anything else maps to OOV index 0.
    return jnp.where((ids >= 0) & (ids < vocab), ids + 1, 0)


def setup_inputs(seed: int = 0) -> dict:
    key = jax.random.key(seed)
    k1, k2, k3, k4 = jax.random.split(key, 4)
    userId = jax.random.randint(k1, (BATCH, 1), 0, VOCAB, dtype=jnp.int32)
    movieId = jax.random.randint(k2, (BATCH, 1), 0, VOCAB, dtype=jnp.int32)
    # Embedding tables: len(ids)+1 rows (row 0 = OOV), embedding size 1.
    user_table = jax.random.normal(k3, (VOCAB + 1, 1), dtype=jnp.float32) * 0.05
    movie_table = jax.random.normal(k4, (VOCAB + 1, 1), dtype=jnp.float32) * 0.05
    return {"userId": userId, "movieId": movieId, "user_table": user_table, "movie_table": movie_table}


def reference(userId, movieId, user_table, movie_table):
    mean_ = jnp.array([MEAN], dtype=jnp.float32)
    iu = _integer_lookup(userId, VOCAB)          # [B, 1] int
    im = _integer_lookup(movieId, VOCAB)         # [B, 1] int
    eu = jnp.take(user_table, iu, axis=0)        # [B, 1, 1]
    em = jnp.take(movie_table, im, axis=0)       # [B, 1, 1]
    return mean_ + eu + em                       # [B, 1, 1]

if __name__ == "__main__":
    import jax
    _d = setup_inputs()
    print(jax.jit(kernel)(*tuple(_d.values())))

</pallas_src>

<mosaic_0001>
#map = affine_map<(d0, d1) -> (0)>
module attributes {stable_mosaic.version = 14 : i64} {
  func.func @_mean_model_sc(%arg0: i32, %arg1: i32, %arg2: memref<16384xi32, #tpu.memory_space<hbm>>, %arg3: memref<16384xi32, #tpu.memory_space<hbm>>, %arg4: memref<2016xf32, #tpu.memory_space<hbm>>, %arg5: memref<16384xf32, #tpu.memory_space<hbm>>, %arg6: memref<512xi32, #tpu.memory_space<vmem>>, %arg7: memref<512xi32, #tpu.memory_space<vmem>>, %arg8: memref<2016xf32, #tpu.memory_space<vmem>>, %arg9: memref<512xf32, #tpu.memory_space<vmem>>, %arg10: memref<!tpu.dma_semaphore, #tpu.memory_space<semaphore_mem>>) attributes {dimension_semantics = [#tpu.dimension_semantics<core_parallel>, #tpu.dimension_semantics<subcore_parallel>], iteration_bounds = array<i64: 2, 16>, scalar_prefetch = 0 : i64, scratch_operands = 5 : i64, tpu.core_type = #tpu.core_type<sc_vector_subcore>, window_params = [{transform_indices = #map}, {transform_indices = #map}, {transform_indices = #map}, {transform_indices = #map}]} {
    %mul3A = arith.constant 2 : i32
    %mul3A_0 = arith.muli %arg1, %mul3A : i32
    %add3A = arith.addi %mul3A_0, %arg0 : i32
    %mul3A_1 = arith.constant 512 : i32
    %mul3A_2 = arith.muli %add3A, %mul3A_1 : i32
    tpu.enqueue_dma source(%arg4 : memref<2016xf32, #tpu.memory_space<hbm>>) target(%arg8 : memref<2016xf32, #tpu.memory_space<vmem>>) target_semaphore(%arg10 : memref<!tpu.dma_semaphore, #tpu.memory_space<semaphore_mem>>)
    %dma_start3A = tpu.memref_slice %arg2[%mul3A_2] : memref<16384xi32, #tpu.memory_space<hbm>> -> memref<512xi32, #tpu.memory_space<hbm>>
    %dma_start3A_3 = tpu.memref_slice %arg2[%mul3A_2] : memref<16384xi32, #tpu.memory_space<hbm>> -> memref<512xi32, #tpu.memory_space<hbm>>
    tpu.enqueue_dma source(%dma_start3A_3 : memref<512xi32, #tpu.memory_space<hbm>>) target(%arg6 : memref<512xi32, #tpu.memory_space<vmem>>) target_semaphore(%arg10 : memref<!tpu.dma_semaphore, #tpu.memory_space<semaphore_mem>>)
    %dma_start3A_4 = tpu.memref_slice %arg3[%mul3A_2] : memref<16384xi32, #tpu.memory_space<hbm>> -> memref<512xi32, #tpu.memory_space<hbm>>
    %dma_start3A_5 = tpu.memref_slice %arg3[%mul3A_2] : memref<16384xi32, #tpu.memory_space<hbm>> -> memref<512xi32, #tpu.memory_space<hbm>>
    tpu.enqueue_dma source(%dma_start3A_5 : memref<512xi32, #tpu.memory_space<hbm>>) target(%arg7 : memref<512xi32, #tpu.memory_space<vmem>>) target_semaphore(%arg10 : memref<!tpu.dma_semaphore, #tpu.memory_space<semaphore_mem>>)
    tpu.wait_dma2 semaphore(%arg10 : memref<!tpu.dma_semaphore, #tpu.memory_space<semaphore_mem>>) src(%arg4 : memref<2016xf32, #tpu.memory_space<hbm>>) dst(%arg8 : memref<2016xf32, #tpu.memory_space<vmem>>)
    %dma_wait3A = tpu.memref_slice %arg2[%mul3A_2] : memref<16384xi32, #tpu.memory_space<hbm>> -> memref<512xi32, #tpu.memory_space<hbm>>
    %dma_wait3A_6 = tpu.memref_slice %arg2[%mul3A_2] : memref<16384xi32, #tpu.memory_space<hbm>> -> memref<512xi32, #tpu.memory_space<hbm>>
    tpu.wait_dma2 semaphore(%arg10 : memref<!tpu.dma_semaphore, #tpu.memory_space<semaphore_mem>>) src(%dma_wait3A_6 : memref<512xi32, #tpu.memory_space<hbm>>) dst(%arg6 : memref<512xi32, #tpu.memory_space<vmem>>)
    %dma_wait3A_7 = tpu.memref_slice %arg3[%mul3A_2] : memref<16384xi32, #tpu.memory_space<hbm>> -> memref<512xi32, #tpu.memory_space<hbm>>
    %dma_wait3A_8 = tpu.memref_slice %arg3[%mul3A_2] : memref<16384xi32, #tpu.memory_space<hbm>> -> memref<512xi32, #tpu.memory_space<hbm>>
    tpu.wait_dma2 semaphore(%arg10 : memref<!tpu.dma_semaphore, #tpu.memory_space<semaphore_mem>>) src(%dma_wait3A_8 : memref<512xi32, #tpu.memory_space<hbm>>) dst(%arg7 : memref<512xi32, #tpu.memory_space<vmem>>)
    %get3A = arith.constant 0 : index
    %get3A_9 = tpu.vector_load %arg6[%get3A] {strides = array<i32>} : memref<512xi32, #tpu.memory_space<vmem>>, vector<16xi32>,
    %get3A_10 = arith.constant 0 : index
    %get3A_11 = tpu.vector_load %arg7[%get3A_10] {strides = array<i32>} : memref<512xi32, #tpu.memory_space<vmem>>, vector<16xi32>,
    %ge3A = arith.constant 0 : i32
    %ge3A_12 = vector.broadcast %ge3A : i32 to vector<16xi32>
    %ge3A_13 = arith.cmpi sge, %get3A_9, %ge3A_12 : vector<16xi32>
    %lt3A = arith.constant 1000 : i32
    %lt3A_14 = vector.broadcast %lt3A : i32 to vector<16xi32>
    %lt3A_15 = arith.cmpi slt, %get3A_9, %lt3A_14 : vector<16xi32>
    %and3A = arith.andi %ge3A_13, %lt3A_15 : vector<16xi1>
    %add3A_16 = arith.constant 1 : i32
    %add3A_17 = vector.broadcast %add3A_16 : i32 to vector<16xi32>
    %add3A_18 = arith.addi %get3A_9, %add3A_17 : vector<16xi32>
    %jit3A = arith.constant 0 : i32
    %broadcast_in_dim3A = vector.broadcast %jit3A : i32 to vector<16xi32>
    %select_n3A = arith.select %and3A, %add3A_18, %broadcast_in_dim3A : vector<16xi1>, vector<16xi32>
    %ge3A_19 = arith.constant 0 : i32
    %ge3A_20 = vector.broadcast %ge3A_19 : i32 to vector<16xi32>
    %ge3A_21 = arith.cmpi sge, %get3A_11, %ge3A_20 : vector<16xi32>
    %lt3A_22 = arith.constant 1000 : i32
    %lt3A_23 = vector.broadcast %lt3A_22 : i32 to vector<16xi32>
    %lt3A_24 = arith.cmpi slt, %get3A_11, %lt3A_23 : vector<16xi32>
    %and3A_25 = arith.andi %ge3A_21, %lt3A_24 : vector<16xi1>
    %add3A_26 = arith.constant 1 : i32
    %add3A_27 = vector.broadcast %add3A_26 : i32 to vector<16xi32>
    %add3A_28 = arith.addi %get3A_11, %add3A_27 : vector<16xi32>
    %jit3A_29 = arith.constant 0 : i32
    %broadcast_in_dim3A_30 = vector.broadcast %jit3A_29 : i32 to vector<16xi32>
    %select_n3A_31 = arith.select %and3A_25, %add3A_28, %broadcast_in_dim3A_30 : vector<16xi1>, vector<16xi32>
    %gather3A = tpu.vector_load_idx %arg8[%select_n3A] : memref<2016xf32, #tpu.memory_space<vmem>>[vector<16xi32>], vector<16xf32>,
    %add3A_32 = arith.constant 1008 : i32
    %add3A_33 = vector.broadcast %add3A_32 : i32 to vector<16xi32>
    %add3A_34 = arith.addi %select_n3A_31, %add3A_33 : vector<16xi32>
    %gather3A_35 = tpu.vector_load_idx %arg8[%add3A_34] : memref<2016xf32, #tpu.memory_space<vmem>>[vector<16xi32>], vector<16xf32>,
    %add3A_36 = arith.addf %gather3A, %gather3A_35 : vector<16xf32>
    %add3A_37 = arith.constant 3.500000e+00 : f32
    %add3A_38 = vector.broadcast %add3A_37 : f32 to vector<16xf32>
    %add3A_39 = arith.addf %add3A_36, %add3A_38 : vector<16xf32>
    %swap3A = arith.constant 0 : index
    %swap3A_40 = tpu.vector_load %arg9[%swap3A] {strides = array<i32>} : memref<512xf32, #tpu.memory_space<vmem>>, vector<16xf32>,
    tpu.vector_store %arg9[%swap3A], %add3A_39 {strides = array<i32>} : memref<512xf32, #tpu.memory_space<vmem>>, vector<16xf32>,
    %get3A_41 = arith.constant 16 : index
    %get3A_42 = tpu.vector_load %arg6[%get3A_41] {strides = array<i32>} : memref<512xi32, #tpu.memory_space<vmem>>, vector<16xi32>,
    %get3A_43 = arith.constant 16 : index
    %get3A_44 = tpu.vector_load %arg7[%get3A_43] {strides = array<i32>} : memref<512xi32, #tpu.memory_space<vmem>>, vector<16xi32>,
    %ge3A_45 = arith.constant 0 : i32
    %ge3A_46 = vector.broadcast %ge3A_45 : i32 to vector<16xi32>
    %ge3A_47 = arith.cmpi sge, %get3A_42, %ge3A_46 : vector<16xi32>
    %lt3A_48 = arith.constant 1000 : i32
    %lt3A_49 = vector.broadcast %lt3A_48 : i32 to vector<16xi32>
    %lt3A_50 = arith.cmpi slt, %get3A_42, %lt3A_49 : vector<16xi32>
    %and3A_51 = arith.andi %ge3A_47, %lt3A_50 : vector<16xi1>
    %add3A_52 = arith.constant 1 : i32
    %add3A_53 = vector.broadcast %add3A_52 : i32 to vector<16xi32>
    %add3A_54 = arith.addi %get3A_42, %add3A_53 : vector<16xi32>
    %jit3A_55 = arith.constant 0 : i32
    %broadcast_in_dim3A_56 = vector.broadcast %jit3A_55 : i32 to vector<16xi32>
    %select_n3A_57 = arith.select %and3A_51, %add3A_54, %broadcast_in_dim3A_56 : vector<16xi1>, vector<16xi32>
    %ge3A_58 = arith.constant 0 : i32
    %ge3A_59 = vector.broadcast %ge3A_58 : i32 to vector<16xi32>
    %ge3A_60 = arith.cmpi sge, %get3A_44, %ge3A_59 : vector<16xi32>
    %lt3A_61 = arith.constant 1000 : i32
    %lt3A_62 = vector.broadcast %lt3A_61 : i32 to vector<16xi32>
    %lt3A_63 = arith.cmpi slt, %get3A_44, %lt3A_62 : vector<16xi32>
    %and3A_64 = arith.andi %ge3A_60, %lt3A_63 : vector<16xi1>
    %add3A_65 = arith.constant 1 : i32
    %add3A_66 = vector.broadcast %add3A_65 : i32 to vector<16xi32>
    %add3A_67 = arith.addi %get3A_44, %add3A_66 : vector<16xi32>
    %jit3A_68 = arith.constant 0 : i32
    %broadcast_in_dim3A_69 = vector.broadcast %jit3A_68 : i32 to vector<16xi32>
    %select_n3A_70 = arith.select %and3A_64, %add3A_67, %broadcast_in_dim3A_69 : vector<16xi1>, vector<16xi32>
    %gather3A_71 = tpu.vector_load_idx %arg8[%select_n3A_57] : memref<2016xf32, #tpu.memory_space<vmem>>[vector<16xi32>], vector<16xf32>,
    %add3A_72 = arith.constant 1008 : i32
    %add3A_73 = vector.broadcast %add3A_72 : i32 to vector<16xi32>
    %add3A_74 = arith.addi %select_n3A_70, %add3A_73 : vector<16xi32>
    %gather3A_75 = tpu.vector_load_idx %arg8[%add3A_74] : memref<2016xf32, #tpu.memory_space<vmem>>[vector<16xi32>], vector<16xf32>,
    %add3A_76 = arith.addf %gather3A_71, %gather3A_75 : vector<16xf32>
    %add3A_77 = arith.constant 3.500000e+00 : f32
    %add3A_78 = vector.broadcast %add3A_77 : f32 to vector<16xf32>
    %add3A_79 = arith.addf %add3A_76, %add3A_78 : vector<16xf32>
    %swap3A_80 = arith.constant 16 : index
    %swap3A_81 = tpu.vector_load %arg9[%swap3A_80] {strides = array<i32>} : memref<512xf32, #tpu.memory_space<vmem>>, vector<16xf32>,
    tpu.vector_store %arg9[%swap3A_80], %add3A_79 {strides = array<i32>} : memref<512xf32, #tpu.memory_space<vmem>>, vector<16xf32>,
    %get3A_82 = arith.constant 32 : index
    %get3A_83 = tpu.vector_load %arg6[%get3A_82] {strides = array<i32>} : memref<512xi32, #tpu.memory_space<vmem>>, vector<16xi32>,
    %get3A_84 = arith.constant 32 : index
    %get3A_85 = tpu.vector_load %arg7[%get3A_84] {strides = array<i32>} : memref<512xi32, #tpu.memory_space<vmem>>, vector<16xi32>,
    %ge3A_86 = arith.constant 0 : i32
    %ge3A_87 = vector.broadcast %ge3A_86 : i32 to vector<16xi32>
    %ge3A_88 = arith.cmpi sge, %get3A_83, %ge3A_87 : vector<16xi32>
    %lt3A_89 = arith.constant 1000 : i32
    %lt3A_90 = vector.broadcast %lt3A_89 : i32 to vector<16xi32>
    %lt3A_91 = arith.cmpi slt, %get3A_83, %lt3A_90 : vector<16xi32>
    %and3A_92 = arith.andi %ge3A_88, %lt3A_91 : vector<16xi1>
    %add3A_93 = arith.constant 1 : i32
    %add3A_94 = vector.broadcast %add3A_93 : i32 to vector<16xi32>
    %add3A_95 = arith.addi %get3A_83, %add3A_94 : vector<16xi32>
    %jit3A_96 = arith.constant 0 : i32
    %broadcast_in_dim3A_97 = vector.broadcast %jit3A_96 : i32 to vector<16xi32>
    %select_n3A_98 = arith.select %and3A_92, %add3A_95, %broadcast_in_dim3A_97 : vector<16xi1>, vector<16xi32>
    %ge3A_99 = arith.constant 0 : i32
    %ge3A_100 = vector.broadcast %ge3A_99 : i32 to vector<16xi32>
    %ge3A_101 = arith.cmpi sge, %get3A_85, %ge3A_100 : vector<16xi32>
    %lt3A_102 = arith.constant 1000 : i32
    %lt3A_103 = vector.broadcast %lt3A_102 : i32 to vector<16xi32>
    %lt3A_104 = arith.cmpi slt, %get3A_85, %lt3A_103 : vector<16xi32>
    %and3A_105 = arith.andi %ge3A_101, %lt3A_104 : vector<16xi1>
    %add3A_106 = arith.constant 1 : i32
    %add3A_107 = vector.broadcast %add3A_106 : i32 to vector<16xi32>
    %add3A_108 = arith.addi %get3A_85, %add3A_107 : vector<16xi32>
    %jit3A_109 = arith.constant 0 : i32
    %broadcast_in_dim3A_110 = vector.broadcast %jit3A_109 : i32 to vector<16xi32>
    %select_n3A_111 = arith.select %and3A_105, %add3A_108, %broadcast_in_dim3A_110 : vector<16xi1>, vector<16xi32>
    %gather3A_112 = tpu.vector_load_idx %arg8[%select_n3A_98] : memref<2016xf32, #tpu.memory_space<vmem>>[vector<16xi32>], vector<16xf32>,
    %add3A_113 = arith.constant 1008 : i32
    %add3A_114 = vector.broadcast %add3A_113 : i32 to vector<16xi32>
    %add3A_115 = arith.addi %select_n3A_111, %add3A_114 : vector<16xi32>
    %gather3A_116 = tpu.vector_load_idx %arg8[%add3A_115] : memref<2016xf32, #tpu.memory_space<vmem>>[vector<16xi32>], vector<16xf32>,
    %add3A_117 = arith.addf %gather3A_112, %gather3A_116 : vector<16xf32>
    %add3A_118 = arith.constant 3.500000e+00 : f32
    %add3A_119 = vector.broadcast %add3A_118 : f32 to vector<16xf32>
    %add3A_120 = arith.addf %add3A_117, %add3A_119 : vector<16xf32>
    %swap3A_121 = arith.constant 32 : index
    %swap3A_122 = tpu.vector_load %arg9[%swap3A_121] {strides = array<i32>} : memref<512xf32, #tpu.memory_space<vmem>>, vector<16xf32>,
    tpu.vector_store %arg9[%swap3A_121], %add3A_120 {strides = array<i32>} : memref<512xf32, #tpu.memory_space<vmem>>, vector<16xf32>,
    %get3A_123 = arith.constant 48 : index
    %get3A_124 = tpu.vector_load %arg6[%get3A_123] {strides = array<i32>} : memref<512xi32, #tpu.memory_space<vmem>>, vector<16xi32>,
    %get3A_125 = arith.constant 48 : index
    %get3A_126 = tpu.vector_load %arg7[%get3A_125] {strides = array<i32>} : memref<512xi32, #tpu.memory_space<vmem>>, vector<16xi32>,
    %ge3A_127 = arith.constant 0 : i32
    %ge3A_128 = vector.broadcast %ge3A_127 : i32 to vector<16xi32>
    %ge3A_129 = arith.cmpi sge, %get3A_124, %ge3A_128 : vector<16xi32>
    %lt3A_130 = arith.constant 1000 : i32
    %lt3A_131 = vector.broadcast %lt3A_130 : i32 to vector<16xi32>
    %lt3A_132 = arith.cmpi slt, %get3A_124, %lt3A_131 : vector<16xi32>
    %and3A_133 = arith.andi %ge3A_129, %lt3A_132 : vector<16xi1>
    %add3A_134 = arith.constant 1 : i32
    %add3A_135 = vector.broadcast %add3A_134 : i32 to vector<16xi32>
    %add3A_136 = arith.addi %get3A_124, %add3A_135 : vector<16xi32>
    %jit3A_137 = arith.constant 0 : i32
    %broadcast_in_dim3A_138 = vector.broadcast %jit3A_137 : i32 to vector<16xi32>
    %select_n3A_139 = arith.select %and3A_133, %add3A_136, %broadcast_in_dim3A_138 : vector<16xi1>, vector<16xi32>
    %ge3A_140 = arith.constant 0 : i32
    %ge3A_141 = vector.broadcast %ge3A_140 : i32 to vector<16xi32>
    %ge3A_142 = arith.cmpi sge, %get3A_126, %ge3A_141 : vector<16xi32>
    %lt3A_143 = arith.constant 1000 : i32
    %lt3A_144 = vector.broadcast %lt3A_143 : i32 to vector<16xi32>
    %lt3A_145 = arith.cmpi slt, %get3A_126, %lt3A_144 : vector<16xi32>
    %and3A_146 = arith.andi %ge3A_142, %lt3A_145 : vector<16xi1>
    %add3A_147 = arith.constant 1 : i32
    %add3A_148 = vector.broadcast %add3A_147 : i32 to vector<16xi32>
    %add3A_149 = arith.addi %get3A_126, %add3A_148 : vector<16xi32>
    %jit3A_150 = arith.constant 0 : i32
    %broadcast_in_dim3A_151 = vector.broadcast %jit3A_150 : i32 to vector<16xi32>
    %select_n3A_152 = arith.select %and3A_146, %add3A_149, %broadcast_in_dim3A_151 : vector<16xi1>, vector<16xi32>
    %gather3A_153 = tpu.vector_load_idx %arg8[%select_n3A_139] : memref<2016xf32, #tpu.memory_space<vmem>>[vector<16xi32>], vector<16xf32>,
    %add3A_154 = arith.constant 1008 : i32
    %add3A_155 = vector.broadcast %add3A_154 : i32 to vector<16xi32>
    %add3A_156 = arith.addi %select_n3A_152, %add3A_155 : vector<16xi32>
    %gather3A_157 = tpu.vector_load_idx %arg8[%add3A_156] : memref<2016xf32, #tpu.memory_space<vmem>>[vector<16xi32>], vector<16xf32>,
    %add3A_158 = arith.addf %gather3A_153, %gather3A_157 : vector<16xf32>
    %add3A_159 = arith.constant 3.500000e+00 : f32
    %add3A_160 = vector.broadcast %add3A_159 : f32 to vector<16xf32>
    %add3A_161 = arith.addf %add3A_158, %add3A_160 : vector<16xf32>
    %swap3A_162 = arith.constant 48 : index
    %swap3A_163 = tpu.vector_load %arg9[%swap3A_162] {strides = array<i32>} : memref<512xf32, #tpu.memory_space<vmem>>, vector<16xf32>,
    tpu.vector_store %arg9[%swap3A_162], %add3A_161 {strides = array<i32>} : memref<512xf32, #tpu.memory_space<vmem>>, vector<16xf32>,
    %get3A_164 = arith.constant 64 : index
    %get3A_165 = tpu.vector_load %arg6[%get3A_164] {strides = array<i32>} : memref<512xi32, #tpu.memory_space<vmem>>, vector<16xi32>,
    %get3A_166 = arith.constant 64 : index
    %get3A_167 = tpu.vector_load %arg7[%get3A_166] {strides = array<i32>} : memref<512xi32, #tpu.memory_space<vmem>>, vector<16xi32>,
    %ge3A_168 = arith.constant 0 : i32
    %ge3A_169 = vector.broadcast %ge3A_168 : i32 to vector<16xi32>
    %ge3A_170 = arith.cmpi sge, %get3A_165, %ge3A_169 : vector<16xi32>
    %lt3A_171 = arith.constant 1000 : i32
    %lt3A_172 = vector.broadcast %lt3A_171 : i32 to vector<16xi32>
    %lt3A_173 = arith.cmpi slt, %get3A_165, %lt3A_172 : vector<16xi32>
    %and3A_174 = arith.andi %ge3A_170, %lt3A_173 : vector<16xi1>
    %add3A_175 = arith.constant 1 : i32
    %add3A_176 = vector.broadcast %add3A_175 : i32 to vector<16xi32>
    %add3A_177 = arith.addi %get3A_165, %add3A_176 : vector<16xi32>
    %jit3A_178 = arith.constant 0 : i32
    %broadcast_in_dim3A_179 = vector.broadcast %jit3A_178 : i32 to vector<16xi32>
    %select_n3A_180 = arith.select %and3A_174, %add3A_177, %broadcast_in_dim3A_179 : vector<16xi1>, vector<16xi32>
    %ge3A_181 = arith.constant 0 : i32
    %ge3A_182 = vector.broadcast %ge3A_181 : i32 to vector<16xi32>
    %ge3A_183 = arith.cmpi sge, %get3A_167, %ge3A_182 : vector<16xi32>
    %lt3A_184 = arith.constant 1000 : i32
    %lt3A_185 = vector.broadcast %lt3A_184 : i32 to vector<16xi32>
    %lt3A_186 = arith.cmpi slt, %get3A_167, %lt3A_185 : vector<16xi32>
    %and3A_187 = arith.andi %ge3A_183, %lt3A_186 : vector<16xi1>
    %add3A_188 = arith.constant 1 : i32
    %add3A_189 = vector.broadcast %add3A_188 : i32 to vector<16xi32>
    %add3A_190 = arith.addi %get3A_167, %add3A_189 : vector<16xi32>
    %jit3A_191 = arith.constant 0 : i32
    %broadcast_in_dim3A_192 = vector.broadcast %jit3A_191 : i32 to vector<16xi32>
    %select_n3A_193 = arith.select %and3A_187, %add3A_190, %broadcast_in_dim3A_192 : vector<16xi1>, vector<16xi32>
    %gather3A_194 = tpu.vector_load_idx %arg8[%select_n3A_180] : memref<2016xf32, #tpu.memory_space<vmem>>[vector<16xi32>], vector<16xf32>,
    %add3A_195 = arith.constant 1008 : i32
    %add3A_196 = vector.broadcast %add3A_195 : i32 to vector<16xi32>
    %add3A_197 = arith.addi %select_n3A_193, %add3A_196 : vector<16xi32>
    %gather3A_198 = tpu.vector_load_idx %arg8[%add3A_197] : memref<2016xf32, #tpu.memory_space<vmem>>[vector<16xi32>], vector<16xf32>,
    %add3A_199 = arith.addf %gather3A_194, %gather3A_198 : vector<16xf32>
    %add3A_200 = arith.constant 3.500000e+00 : f32
    %add3A_201 = vector.broadcast %add3A_200 : f32 to vector<16xf32>
    %add3A_202 = arith.addf %add3A_199, %add3A_201 : vector<16xf32>
    %swap3A_203 = arith.constant 64 : index
    %swap3A_204 = tpu.vector_load %arg9[%swap3A_203] {strides = array<i32>} : memref<512xf32, #tpu.memory_space<vmem>>, vector<16xf32>,
    tpu.vector_store %arg9[%swap3A_203], %add3A_202 {strides = array<i32>} : memref<512xf32, #tpu.memory_space<vmem>>, vector<16xf32>,
    %get3A_205 = arith.constant 80 : index
    %get3A_206 = tpu.vector_load %arg6[%get3A_205] {strides = array<i32>} : memref<512xi32, #tpu.memory_space<vmem>>, vector<16xi32>,
    %get3A_207 = arith.constant 80 : index
    %get3A_208 = tpu.vector_load %arg7[%get3A_207] {strides = array<i32>} : memref<512xi32, #tpu.memory_space<vmem>>, vector<16xi32>,
    %ge3A_209 = arith.constant 0 : i32
    %ge3A_210 = vector.broadcast %ge3A_209 : i32 to vector<16xi32>
    %ge3A_211 = arith.cmpi sge, %get3A_206, %ge3A_210 : vector<16xi32>
    %lt3A_212 = arith.constant 1000 : i32
    %lt3A_213 = vector.broadcast %lt3A_212 : i32 to vector<16xi32>
    %lt3A_214 = arith.cmpi slt, %get3A_206, %lt3A_213 : vector<16xi32>
    %and3A_215 = arith.andi %ge3A_211, %lt3A_214 : vector<16xi1>
    %add3A_216 = arith.constant 1 : i32
    %add3A_217 = vector.broadcast %add3A_216 : i32 to vector<16xi32>
    %add3A_218 = arith.addi %get3A_206, %add3A_217 : vector<16xi32>
    %jit3A_219 = arith.constant 0 : i32
    %broadcast_in_dim3A_220 = vector.broadcast %jit3A_219 : i32 to vector<16xi32>
    %select_n3A_221 = arith.select %and3A_215, %add3A_218, %broadcast_in_dim3A_220 : vector<16xi1>, vector<16xi32>
    %ge3A_222 = arith.constant 0 : i32
    %ge3A_223 = vector.broadcast %ge3A_222 : i32 to vector<16xi32>
    %ge3A_224 = arith.cmpi sge, %get3A_208, %ge3A_223 : vector<16xi32>
    %lt3A_225 = arith.constant 1000 : i32
    %lt3A_226 = vector.broadcast %lt3A_225 : i32 to vector<16xi32>
    %lt3A_227 = arith.cmpi slt, %get3A_208, %lt3A_226 : vector<16xi32>
    %and3A_228 = arith.andi %ge3A_224, %lt3A_227 : vector<16xi1>
    %add3A_229 = arith.constant 1 : i32
    %add3A_230 = vector.broadcast %add3A_229 : i32 to vector<16xi32>
    %add3A_231 = arith.addi %get3A_208, %add3A_230 : vector<16xi32>
    %jit3A_232 = arith.constant 0 : i32
    %broadcast_in_dim3A_233 = vector.broadcast %jit3A_232 : i32 to vector<16xi32>
    %select_n3A_234 = arith.select %and3A_228, %add3A_231, %broadcast_in_dim3A_233 : vector<16xi1>, vector<16xi32>
    %gather3A_235 = tpu.vector_load_idx %arg8[%select_n3A_221] : memref<2016xf32, #tpu.memory_space<vmem>>[vector<16xi32>], vector<16xf32>,
    %add3A_236 = arith.constant 1008 : i32
    %add3A_237 = vector.broadcast %add3A_236 : i32 to vector<16xi32>
    %add3A_238 = arith.addi %select_n3A_234, %add3A_237 : vector<16xi32>
    %gather3A_239 = tpu.vector_load_idx %arg8[%add3A_238] : memref<2016xf32, #tpu.memory_space<vmem>>[vector<16xi32>], vector<16xf32>,
    %add3A_240 = arith.addf %gather3A_235, %gather3A_239 : vector<16xf32>
    %add3A_241 = arith.constant 3.500000e+00 : f32
    %add3A_242 = vector.broadcast %add3A_241 : f32 to vector<16xf32>
    %add3A_243 = arith.addf %add3A_240, %add3A_242 : vector<16xf32>
    %swap3A_244 = arith.constant 80 : index
    %swap3A_245 = tpu.vector_load %arg9[%swap3A_244] {strides = array<i32>} : memref<512xf32, #tpu.memory_space<vmem>>, vector<16xf32>,
    tpu.vector_store %arg9[%swap3A_244], %add3A_243 {strides = array<i32>} : memref<512xf32, #tpu.memory_space<vmem>>, vector<16xf32>,
    %get3A_246 = arith.constant 96 : index
    %get3A_247 = tpu.vector_load %arg6[%get3A_246] {strides = array<i32>} : memref<512xi32, #tpu.memory_space<vmem>>, vector<16xi32>,
    %get3A_248 = arith.constant 96 : index
    %get3A_249 = tpu.vector_load %arg7[%get3A_248] {strides = array<i32>} : memref<512xi32, #tpu.memory_space<vmem>>, vector<16xi32>,
    %ge3A_250 = arith.constant 0 : i32
    %ge3A_251 = vector.broadcast %ge3A_250 : i32 to vector<16xi32>
    %ge3A_252 = arith.cmpi sge, %get3A_247, %ge3A_251 : vector<16xi32>
    %lt3A_253 = arith.constant 1000 : i32
    %lt3A_254 = vector.broadcast %lt3A_253 : i32 to vector<16xi32>
    %lt3A_255 = arith.cmpi slt, %get3A_247, %lt3A_254 : vector<16xi32>
    %and3A_256 = arith.andi %ge3A_252, %lt3A_255 : vector<16xi1>
    %add3A_257 = arith.constant 1 : i32
    %add3A_258 = vector.broadcast %add3A_257 : i32 to vector<16xi32>
    %add3A_259 = arith.addi %get3A_247, %add3A_258 : vector<16xi32>
    %jit3A_260 = arith.constant 0 : i32
    %broadcast_in_dim3A_261 = vector.broadcast %jit3A_260 : i32 to vector<16xi32>
    %select_n3A_262 = arith.select %and3A_256, %add3A_259, %broadcast_in_dim3A_261 : vector<16xi1>, vector<16xi32>
    %ge3A_263 = arith.constant 0 : i32
    %ge3A_264 = vector.broadcast %ge3A_263 : i32 to vector<16xi32>
    %ge3A_265 = arith.cmpi sge, %get3A_249, %ge3A_264 : vector<16xi32>
    %lt3A_266 = arith.constant 1000 : i32
    %lt3A_267 = vector.broadcast %lt3A_266 : i32 to vector<16xi32>
    %lt3A_268 = arith.cmpi slt, %get3A_249, %lt3A_267 : vector<16xi32>
    %and3A_269 = arith.andi %ge3A_265, %lt3A_268 : vector<16xi1>
    %add3A_270 = arith.constant 1 : i32
    %add3A_271 = vector.broadcast %add3A_270 : i32 to vector<16xi32>
    %add3A_272 = arith.addi %get3A_249, %add3A_271 : vector<16xi32>
    %jit3A_273 = arith.constant 0 : i32
    %broadcast_in_dim3A_274 = vector.broadcast %jit3A_273 : i32 to vector<16xi32>
    %select_n3A_275 = arith.select %and3A_269, %add3A_272, %broadcast_in_dim3A_274 : vector<16xi1>, vector<16xi32>
    %gather3A_276 = tpu.vector_load_idx %arg8[%select_n3A_262] : memref<2016xf32, #tpu.memory_space<vmem>>[vector<16xi32>], vector<16xf32>,
    %add3A_277 = arith.constant 1008 : i32
    %add3A_278 = vector.broadcast %add3A_277 : i32 to vector<16xi32>
    %add3A_279 = arith.addi %select_n3A_275, %add3A_278 : vector<16xi32>
    %gather3A_280 = tpu.vector_load_idx %arg8[%add3A_279] : memref<2016xf32, #tpu.memory_space<vmem>>[vector<16xi32>], vector<16xf32>,
    %add3A_281 = arith.addf %gather3A_276, %gather3A_280 : vector<16xf32>
    %add3A_282 = arith.constant 3.500000e+00 : f32
    %add3A_283 = vector.broadcast %add3A_282 : f32 to vector<16xf32>
    %add3A_284 = arith.addf %add3A_281, %add3A_283 : vector<16xf32>
    %swap3A_285 = arith.constant 96 : index
    %swap3A_286 = tpu.vector_load %arg9[%swap3A_285] {strides = array<i32>} : memref<512xf32, #tpu.memory_space<vmem>>, vector<16xf32>,
    tpu.vector_store %arg9[%swap3A_285], %add3A_284 {strides = array<i32>} : memref<512xf32, #tpu.memory_space<vmem>>, vector<16xf32>,
    %get3A_287 = arith.constant 112 : index
    %get3A_288 = tpu.vector_load %arg6[%get3A_287] {strides = array<i32>} : memref<512xi32, #tpu.memory_space<vmem>>, vector<16xi32>,
    %get3A_289 = arith.constant 112 : index
    %get3A_290 = tpu.vector_load %arg7[%get3A_289] {strides = array<i32>} : memref<512xi32, #tpu.memory_space<vmem>>, vector<16xi32>,
    %ge3A_291 = arith.constant 0 : i32
    %ge3A_292 = vector.broadcast %ge3A_291 : i32 to vector<16xi32>
    %ge3A_293 = arith.cmpi sge, %get3A_288, %ge3A_292 : vector<16xi32>
    %lt3A_294 = arith.constant 1000 : i32
    %lt3A_295 = vector.broadcast %lt3A_294 : i32 to vector<16xi32>
    %lt3A_296 = arith.cmpi slt, %get3A_288, %lt3A_295 : vector<16xi32>
    %and3A_297 = arith.andi %ge3A_293, %lt3A_296 : vector<16xi1>
    %add3A_298 = arith.constant 1 : i32
    %add3A_299 = vector.broadcast %add3A_298 : i32 to vector<16xi32>
    %add3A_300 = arith.addi %get3A_288, %add3A_299 : vector<16xi32>
    %jit3A_301 = arith.constant 0 : i32
    %broadcast_in_dim3A_302 = vector.broadcast %jit3A_301 : i32 to vector<16xi32>
    %select_n3A_303 = arith.select %and3A_297, %add3A_300, %broadcast_in_dim3A_302 : vector<16xi1>, vector<16xi32>
    %ge3A_304 = arith.constant 0 : i32
    %ge3A_305 = vector.broadcast %ge3A_304 : i32 to vector<16xi32>
    %ge3A_306 = arith.cmpi sge, %get3A_290, %ge3A_305 : vector<16xi32>
    %lt3A_307 = arith.constant 1000 : i32
    %lt3A_308 = vector.broadcast %lt3A_307 : i32 to vector<16xi32>
    %lt3A_309 = arith.cmpi slt, %get3A_290, %lt3A_308 : vector<16xi32>
    %and3A_310 = arith.andi %ge3A_306, %lt3A_309 : vector<16xi1>
    %add3A_311 = arith.constant 1 : i32
    %add3A_312 = vector.broadcast %add3A_311 : i32 to vector<16xi32>
    %add3A_313 = arith.addi %get3A_290, %add3A_312 : vector<16xi32>
    %jit3A_314 = arith.constant 0 : i32
    %broadcast_in_dim3A_315 = vector.broadcast %jit3A_314 : i32 to vector<16xi32>
    %select_n3A_316 = arith.select %and3A_310, %add3A_313, %broadcast_in_dim3A_315 : vector<16xi1>, vector<16xi32>
    %gather3A_317 = tpu.vector_load_idx %arg8[%select_n3A_303] : memref<2016xf32, #tpu.memory_space<vmem>>[vector<16xi32>], vector<16xf32>,
    %add3A_318 = arith.constant 1008 : i32
    %add3A_319 = vector.broadcast %add3A_318 : i32 to vector<16xi32>
    %add3A_320 = arith.addi %select_n3A_316, %add3A_319 : vector<16xi32>
    %gather3A_321 = tpu.vector_load_idx %arg8[%add3A_320] : memref<2016xf32, #tpu.memory_space<vmem>>[vector<16xi32>], vector<16xf32>,
    %add3A_322 = arith.addf %gather3A_317, %gather3A_321 : vector<16xf32>
    %add3A_323 = arith.constant 3.500000e+00 : f32
    %add3A_324 = vector.broadcast %add3A_323 : f32 to vector<16xf32>
    %add3A_325 = arith.addf %add3A_322, %add3A_324 : vector<16xf32>
    %swap3A_326 = arith.constant 112 : index
    %swap3A_327 = tpu.vector_load %arg9[%swap3A_326] {strides = array<i32>} : memref<512xf32, #tpu.memory_space<vmem>>, vector<16xf32>,
    tpu.vector_store %arg9[%swap3A_326], %add3A_325 {strides = array<i32>} : memref<512xf32, #tpu.memory_space<vmem>>, vector<16xf32>,
    %get3A_328 = arith.constant 128 : index
    %get3A_329 = tpu.vector_load %arg6[%get3A_328] {strides = array<i32>} : memref<512xi32, #tpu.memory_space<vmem>>, vector<16xi32>,
    %get3A_330 = arith.constant 128 : index
    %get3A_331 = tpu.vector_load %arg7[%get3A_330] {strides = array<i32>} : memref<512xi32, #tpu.memory_space<vmem>>, vector<16xi32>,
    %ge3A_332 = arith.constant 0 : i32
    %ge3A_333 = vector.broadcast %ge3A_332 : i32 to vector<16xi32>
    %ge3A_334 = arith.cmpi sge, %get3A_329, %ge3A_333 : vector<16xi32>
    %lt3A_335 = arith.constant 1000 : i32
    %lt3A_336 = vector.broadcast %lt3A_335 : i32 to vector<16xi32>
    %lt3A_337 = arith.cmpi slt, %get3A_329, %lt3A_336 : vector<16xi32>
    %and3A_338 = arith.andi %ge3A_334, %lt3A_337 : vector<16xi1>
    %add3A_339 = arith.constant 1 : i32
    %add3A_340 = vector.broadcast %add3A_339 : i32 to vector<16xi32>
    %add3A_341 = arith.addi %get3A_329, %add3A_340 : vector<16xi32>
    %jit3A_342 = arith.constant 0 : i32
    %broadcast_in_dim3A_343 = vector.broadcast %jit3A_342 : i32 to vector<16xi32>
    %select_n3A_344 = arith.select %and3A_338, %add3A_341, %broadcast_in_dim3A_343 : vector<16xi1>, vector<16xi32>
    %ge3A_345 = arith.constant 0 : i32
    %ge3A_346 = vector.broadcast %ge3A_345 : i32 to vector<16xi32>
    %ge3A_347 = arith.cmpi sge, %get3A_331, %ge3A_346 : vector<16xi32>
    %lt3A_348 = arith.constant 1000 : i32
    %lt3A_349 = vector.broadcast %lt3A_348 : i32 to vector<16xi32>
    %lt3A_350 = arith.cmpi slt, %get3A_331, %lt3A_349 : vector<16xi32>
    %and3A_351 = arith.andi %ge3A_347, %lt3A_350 : vector<16xi1>
    %add3A_352 = arith.constant 1 : i32
    %add3A_353 = vector.broadcast %add3A_352 : i32 to vector<16xi32>
    %add3A_354 = arith.addi %get3A_331, %add3A_353 : vector<16xi32>
    %jit3A_355 = arith.constant 0 : i32
    %broadcast_in_dim3A_356 = vector.broadcast %jit3A_355 : i32 to vector<16xi32>
    %select_n3A_357 = arith.select %and3A_351, %add3A_354, %broadcast_in_dim3A_356 : vector<16xi1>, vector<16xi32>
    %gather3A_358 = tpu.vector_load_idx %arg8[%select_n3A_344] : memref<2016xf32, #tpu.memory_space<vmem>>[vector<16xi32>], vector<16xf32>,
    %add3A_359 = arith.constant 1008 : i32
    %add3A_360 = vector.broadcast %add3A_359 : i32 to vector<16xi32>
    %add3A_361 = arith.addi %select_n3A_357, %add3A_360 : vector<16xi32>
    %gather3A_362 = tpu.vector_load_idx %arg8[%add3A_361] : memref<2016xf32, #tpu.memory_space<vmem>>[vector<16xi32>], vector<16xf32>,
    %add3A_363 = arith.addf %gather3A_358, %gather3A_362 : vector<16xf32>
    %add3A_364 = arith.constant 3.500000e+00 : f32
    %add3A_365 = vector.broadcast %add3A_364 : f32 to vector<16xf32>
    %add3A_366 = arith.addf %add3A_363, %add3A_365 : vector<16xf32>
    %swap3A_367 = arith.constant 128 : index
    %swap3A_368 = tpu.vector_load %arg9[%swap3A_367] {strides = array<i32>} : memref<512xf32, #tpu.memory_space<vmem>>, vector<16xf32>,
    tpu.vector_store %arg9[%swap3A_367], %add3A_366 {strides = array<i32>} : memref<512xf32, #tpu.memory_space<vmem>>, vector<16xf32>,
    %get3A_369 = arith.constant 144 : index
    %get3A_370 = tpu.vector_load %arg6[%get3A_369] {strides = array<i32>} : memref<512xi32, #tpu.memory_space<vmem>>, vector<16xi32>,
    %get3A_371 = arith.constant 144 : index
    %get3A_372 = tpu.vector_load %arg7[%get3A_371] {strides = array<i32>} : memref<512xi32, #tpu.memory_space<vmem>>, vector<16xi32>,
    %ge3A_373 = arith.constant 0 : i32
    %ge3A_374 = vector.broadcast %ge3A_373 : i32 to vector<16xi32>
    %ge3A_375 = arith.cmpi sge, %get3A_370, %ge3A_374 : vector<16xi32>
    %lt3A_376 = arith.constant 1000 : i32
    %lt3A_377 = vector.broadcast %lt3A_376 : i32 to vector<16xi32>
    %lt3A_378 = arith.cmpi slt, %get3A_370, %lt3A_377 : vector<16xi32>
    %and3A_379 = arith.andi %ge3A_375, %lt3A_378 : vector<16xi1>
    %add3A_380 = arith.constant 1 : i32
    %add3A_381 = vector.broadcast %add3A_380 : i32 to vector<16xi32>
    %add3A_382 = arith.addi %get3A_370, %add3A_381 : vector<16xi32>
    %jit3A_383 = arith.constant 0 : i32
    %broadcast_in_dim3A_384 = vector.broadcast %jit3A_383 : i32 to vector<16xi32>
    %select_n3A_385 = arith.select %and3A_379, %add3A_382, %broadcast_in_dim3A_384 : vector<16xi1>, vector<16xi32>
    %ge3A_386 = arith.constant 0 : i32
    %ge3A_387 = vector.broadcast %ge3A_386 : i32 to vector<16xi32>
    %ge3A_388 = arith.cmpi sge, %get3A_372, %ge3A_387 : vector<16xi32>
    %lt3A_389 = arith.constant 1000 : i32
    %lt3A_390 = vector.broadcast %lt3A_389 : i32 to vector<16xi32>
    %lt3A_391 = arith.cmpi slt, %get3A_372, %lt3A_390 : vector<16xi32>
    %and3A_392 = arith.andi %ge3A_388, %lt3A_391 : vector<16xi1>
    %add3A_393 = arith.constant 1 : i32
    %add3A_394 = vector.broadcast %add3A_393 : i32 to vector<16xi32>
    %add3A_395 = arith.addi %get3A_372, %add3A_394 : vector<16xi32>
    %jit3A_396 = arith.constant 0 : i32
    %broadcast_in_dim3A_397 = vector.broadcast %jit3A_396 : i32 to vector<16xi32>
    %select_n3A_398 = arith.select %and3A_392, %add3A_395, %broadcast_in_dim3A_397 : vector<16xi1>, vector<16xi32>
    %gather3A_399 = tpu.vector_load_idx %arg8[%select_n3A_385] : memref<2016xf32, #tpu.memory_space<vmem>>[vector<16xi32>], vector<16xf32>,
    %add3A_400 = arith.constant 1008 : i32
    %add3A_401 = vector.broadcast %add3A_400 : i32 to vector<16xi32>
    %add3A_402 = arith.addi %select_n3A_398, %add3A_401 : vector<16xi32>
    %gather3A_403 = tpu.vector_load_idx %arg8[%add3A_402] : memref<2016xf32, #tpu.memory_space<vmem>>[vector<16xi32>], vector<16xf32>,
    %add3A_404 = arith.addf %gather3A_399, %gather3A_403 : vector<16xf32>
    %add3A_405 = arith.constant 3.500000e+00 : f32
    %add3A_406 = vector.broadcast %add3A_405 : f32 to vector<16xf32>
    %add3A_407 = arith.addf %add3A_404, %add3A_406 : vector<16xf32>
    %swap3A_408 = arith.constant 144 : index
    %swap3A_409 = tpu.vector_load %arg9[%swap3A_408] {strides = array<i32>} : memref<512xf32, #tpu.memory_space<vmem>>, vector<16xf32>,
    tpu.vector_store %arg9[%swap3A_408], %add3A_407 {strides = array<i32>} : memref<512xf32, #tpu.memory_space<vmem>>, vector<16xf32>,
    %get3A_410 = arith.constant 160 : index
    %get3A_411 = tpu.vector_load %arg6[%get3A_410] {strides = array<i32>} : memref<512xi32, #tpu.memory_space<vmem>>, vector<16xi32>,
    %get3A_412 = arith.constant 160 : index
    %get3A_413 = tpu.vector_load %arg7[%get3A_412] {strides = array<i32>} : memref<512xi32, #tpu.memory_space<vmem>>, vector<16xi32>,
    %ge3A_414 = arith.constant 0 : i32
    %ge3A_415 = vector.broadcast %ge3A_414 : i32 to vector<16xi32>
    %ge3A_416 = arith.cmpi sge, %get3A_411, %ge3A_415 : vector<16xi32>
    %lt3A_417 = arith.constant 1000 : i32
    %lt3A_418 = vector.broadcast %lt3A_417 : i32 to vector<16xi32>
    %lt3A_419 = arith.cmpi slt, %get3A_411, %lt3A_418 : vector<16xi32>
    %and3A_420 = arith.andi %ge3A_416, %lt3A_419 : vector<16xi1>
    %add3A_421 = arith.constant 1 : i32
    %add3A_422 = vector.broadcast %add3A_421 : i32 to vector<16xi32>
    %add3A_423 = arith.addi %get3A_411, %add3A_422 : vector<16xi32>
    %jit3A_424 = arith.constant 0 : i32
    %broadcast_in_dim3A_425 = vector.broadcast %jit3A_424 : i32 to vector<16xi32>
    %select_n3A_426 = arith.select %and3A_420, %add3A_423, %broadcast_in_dim3A_425 : vector<16xi1>, vector<16xi32>
    %ge3A_427 = arith.constant 0 : i32
    %ge3A_428 = vector.broadcast %ge3A_427 : i32 to vector<16xi32>
    %ge3A_429 = arith.cmpi sge, %get3A_413, %ge3A_428 : vector<16xi32>
    %lt3A_430 = arith.constant 1000 : i32
    %lt3A_431 = vector.broadcast %lt3A_430 : i32 to vector<16xi32>
    %lt3A_432 = arith.cmpi slt, %get3A_413, %lt3A_431 : vector<16xi32>
    %and3A_433 = arith.andi %ge3A_429, %lt3A_432 : vector<16xi1>
    %add3A_434 = arith.constant 1 : i32
    %add3A_435 = vector.broadcast %add3A_434 : i32 to vector<16xi32>
    %add3A_436 = arith.addi %get3A_413, %add3A_435 : vector<16xi32>
    %jit3A_437 = arith.constant 0 : i32
    %broadcast_in_dim3A_438 = vector.broadcast %jit3A_437 : i32 to vector<16xi32>
    %select_n3A_439 = arith.select %and3A_433, %add3A_436, %broadcast_in_dim3A_438 : vector<16xi1>, vector<16xi32>
    %gather3A_440 = tpu.vector_load_idx %arg8[%select_n3A_426] : memref<2016xf32, #tpu.memory_space<vmem>>[vector<16xi32>], vector<16xf32>,
    %add3A_441 = arith.constant 1008 : i32
    %add3A_442 = vector.broadcast %add3A_441 : i32 to vector<16xi32>
    %add3A_443 = arith.addi %select_n3A_439, %add3A_442 : vector<16xi32>
    %gather3A_444 = tpu.vector_load_idx %arg8[%add3A_443] : memref<2016xf32, #tpu.memory_space<vmem>>[vector<16xi32>], vector<16xf32>,
    %add3A_445 = arith.addf %gather3A_440, %gather3A_444 : vector<16xf32>
    %add3A_446 = arith.constant 3.500000e+00 : f32
    %add3A_447 = vector.broadcast %add3A_446 : f32 to vector<16xf32>
    %add3A_448 = arith.addf %add3A_445, %add3A_447 : vector<16xf32>
    %swap3A_449 = arith.constant 160 : index
    %swap3A_450 = tpu.vector_load %arg9[%swap3A_449] {strides = array<i32>} : memref<512xf32, #tpu.memory_space<vmem>>, vector<16xf32>,
    tpu.vector_store %arg9[%swap3A_449], %add3A_448 {strides = array<i32>} : memref<512xf32, #tpu.memory_space<vmem>>, vector<16xf32>,
    %get3A_451 = arith.constant 176 : index
    %get3A_452 = tpu.vector_load %arg6[%get3A_451] {strides = array<i32>} : memref<512xi32, #tpu.memory_space<vmem>>, vector<16xi32>,
    %get3A_453 = arith.constant 176 : index
    %get3A_454 = tpu.vector_load %arg7[%get3A_453] {strides = array<i32>} : memref<512xi32, #tpu.memory_space<vmem>>, vector<16xi32>,
    %ge3A_455 = arith.constant 0 : i32
    %ge3A_456 = vector.broadcast %ge3A_455 : i32 to vector<16xi32>
    %ge3A_457 = arith.cmpi sge, %get3A_452, %ge3A_456 : vector<16xi32>
    %lt3A_458 = arith.constant 1000 : i32
    %lt3A_459 = vector.broadcast %lt3A_458 : i32 to vector<16xi32>
    %lt3A_460 = arith.cmpi slt, %get3A_452, %lt3A_459 : vector<16xi32>
    %and3A_461 = arith.andi %ge3A_457, %lt3A_460 : vector<16xi1>
    %add3A_462 = arith.constant 1 : i32
    %add3A_463 = vector.broadcast %add3A_462 : i32 to vector<16xi32>
    %add3A_464 = arith.addi %get3A_452, %add3A_463 : vector<16xi32>
    %jit3A_465 = arith.constant 0 : i32
    %broadcast_in_dim3A_466 = vector.broadcast %jit3A_465 : i32 to vector<16xi32>
    %select_n3A_467 = arith.select %and3A_461, %add3A_464, %broadcast_in_dim3A_466 : vector<16xi1>, vector<16xi32>
    %ge3A_468 = arith.constant 0 : i32
    %ge3A_469 = vector.broadcast %ge3A_468 : i32 to vector<16xi32>
    %ge3A_470 = arith.cmpi sge, %get3A_454, %ge3A_469 : vector<16xi32>
    %lt3A_471 = arith.constant 1000 : i32
    %lt3A_472 = vector.broadcast %lt3A_471 : i32 to vector<16xi32>
    %lt3A_473 = arith.cmpi slt, %get3A_454, %lt3A_472 : vector<16xi32>
    %and3A_474 = arith.andi %ge3A_470, %lt3A_473 : vector<16xi1>
    %add3A_475 = arith.constant 1 : i32
    %add3A_476 = vector.broadcast %add3A_475 : i32 to vector<16xi32>
    %add3A_477 = arith.addi %get3A_454, %add3A_476 : vector<16xi32>
    %jit3A_478 = arith.constant 0 : i32
    %broadcast_in_dim3A_479 = vector.broadcast %jit3A_478 : i32 to vector<16xi32>
    %select_n3A_480 = arith.select %and3A_474, %add3A_477, %broadcast_in_dim3A_479 : vector<16xi1>, vector<16xi32>
    %gather3A_481 = tpu.vector_load_idx %arg8[%select_n3A_467] : memref<2016xf32, #tpu.memory_space<vmem>>[vector<16xi32>], vector<16xf32>,
    %add3A_482 = arith.constant 1008 : i32
    %add3A_483 = vector.broadcast %add3A_482 : i32 to vector<16xi32>
    %add3A_484 = arith.addi %select_n3A_480, %add3A_483 : vector<16xi32>
    %gather3A_485 = tpu.vector_load_idx %arg8[%add3A_484] : memref<2016xf32, #tpu.memory_space<vmem>>[vector<16xi32>], vector<16xf32>,
    %add3A_486 = arith.addf %gather3A_481, %gather3A_485 : vector<16xf32>
    %add3A_487 = arith.constant 3.500000e+00 : f32
    %add3A_488 = vector.broadcast %add3A_487 : f32 to vector<16xf32>
    %add3A_489 = arith.addf %add3A_486, %add3A_488 : vector<16xf32>
    %swap3A_490 = arith.constant 176 : index
    %swap3A_491 = tpu.vector_load %arg9[%swap3A_490] {strides = array<i32>} : memref<512xf32, #tpu.memory_space<vmem>>, vector<16xf32>,
    tpu.vector_store %arg9[%swap3A_490], %add3A_489 {strides = array<i32>} : memref<512xf32, #tpu.memory_space<vmem>>, vector<16xf32>,
    %get3A_492 = arith.constant 192 : index
    %get3A_493 = tpu.vector_load %arg6[%get3A_492] {strides = array<i32>} : memref<512xi32, #tpu.memory_space<vmem>>, vector<16xi32>,
    %get3A_494 = arith.constant 192 : index
    %get3A_495 = tpu.vector_load %arg7[%get3A_494] {strides = array<i32>} : memref<512xi32, #tpu.memory_space<vmem>>, vector<16xi32>,
    %ge3A_496 = arith.constant 0 : i32
    %ge3A_497 = vector.broadcast %ge3A_496 : i32 to vector<16xi32>
    %ge3A_498 = arith.cmpi sge, %get3A_493, %ge3A_497 : vector<16xi32>
    %lt3A_499 = arith.constant 1000 : i32
    %lt3A_500 = vector.broadcast %lt3A_499 : i32 to vector<16xi32>
    %lt3A_501 = arith.cmpi slt, %get3A_493, %lt3A_500 : vector<16xi32>
    %and3A_502 = arith.andi %ge3A_498, %lt3A_501 : vector<16xi1>
    %add3A_503 = arith.constant 1 : i32
    %add3A_504 = vector.broadcast %add3A_503 : i32 to vector<16xi32>
    %add3A_505 = arith.addi %get3A_493, %add3A_504 : vector<16xi32>
    %jit3A_506 = arith.constant 0 : i32
    %broadcast_in_dim3A_507 = vector.broadcast %jit3A_506 : i32 to vector<16xi32>
    %select_n3A_508 = arith.select %and3A_502, %add3A_505, %broadcast_in_dim3A_507 : vector<16xi1>, vector<16xi32>
    %ge3A_509 = arith.constant 0 : i32
    %ge3A_510 = vector.broadcast %ge3A_509 : i32 to vector<16xi32>
    %ge3A_511 = arith.cmpi sge, %get3A_495, %ge3A_510 : vector<16xi32>
    %lt3A_512 = arith.constant 1000 : i32
    %lt3A_513 = vector.broadcast %lt3A_512 : i32 to vector<16xi32>
    %lt3A_514 = arith.cmpi slt, %get3A_495, %lt3A_513 : vector<16xi32>
    %and3A_515 = arith.andi %ge3A_511, %lt3A_514 : vector<16xi1>
    %add3A_516 = arith.constant 1 : i32
    %add3A_517 = vector.broadcast %add3A_516 : i32 to vector<16xi32>
    %add3A_518 = arith.addi %get3A_495, %add3A_517 : vector<16xi32>
    %jit3A_519 = arith.constant 0 : i32
    %broadcast_in_dim3A_520 = vector.broadcast %jit3A_519 : i32 to vector<16xi32>
    %select_n3A_521 = arith.select %and3A_515, %add3A_518, %broadcast_in_dim3A_520 : vector<16xi1>, vector<16xi32>
    %gather3A_522 = tpu.vector_load_idx %arg8[%select_n3A_508] : memref<2016xf32, #tpu.memory_space<vmem>>[vector<16xi32>], vector<16xf32>,
    %add3A_523 = arith.constant 1008 : i32
    %add3A_524 = vector.broadcast %add3A_523 : i32 to vector<16xi32>
    %add3A_525 = arith.addi %select_n3A_521, %add3A_524 : vector<16xi32>
    %gather3A_526 = tpu.vector_load_idx %arg8[%add3A_525] : memref<2016xf32, #tpu.memory_space<vmem>>[vector<16xi32>], vector<16xf32>,
    %add3A_527 = arith.addf %gather3A_522, %gather3A_526 : vector<16xf32>
    %add3A_528 = arith.constant 3.500000e+00 : f32
    %add3A_529 = vector.broadcast %add3A_528 : f32 to vector<16xf32>
    %add3A_530 = arith.addf %add3A_527, %add3A_529 : vector<16xf32>
    %swap3A_531 = arith.constant 192 : index
    %swap3A_532 = tpu.vector_load %arg9[%swap3A_531] {strides = array<i32>} : memref<512xf32, #tpu.memory_space<vmem>>, vector<16xf32>,
    tpu.vector_store %arg9[%swap3A_531], %add3A_530 {strides = array<i32>} : memref<512xf32, #tpu.memory_space<vmem>>, vector<16xf32>,
    %get3A_533 = arith.constant 208 : index
    %get3A_534 = tpu.vector_load %arg6[%get3A_533] {strides = array<i32>} : memref<512xi32, #tpu.memory_space<vmem>>, vector<16xi32>,
    %get3A_535 = arith.constant 208 : index
    %get3A_536 = tpu.vector_load %arg7[%get3A_535] {strides = array<i32>} : memref<512xi32, #tpu.memory_space<vmem>>, vector<16xi32>,
    %ge3A_537 = arith.constant 0 : i32
    %ge3A_538 = vector.broadcast %ge3A_537 : i32 to vector<16xi32>
    %ge3A_539 = arith.cmpi sge, %get3A_534, %ge3A_538 : vector<16xi32>
    %lt3A_540 = arith.constant 1000 : i32
    %lt3A_541 = vector.broadcast %lt3A_540 : i32 to vector<16xi32>
    %lt3A_542 = arith.cmpi slt, %get3A_534, %lt3A_541 : vector<16xi32>
    %and3A_543 = arith.andi %ge3A_539, %lt3A_542 : vector<16xi1>
    %add3A_544 = arith.constant 1 : i32
    %add3A_545 = vector.broadcast %add3A_544 : i32 to vector<16xi32>
    %add3A_546 = arith.addi %get3A_534, %add3A_545 : vector<16xi32>
    %jit3A_547 = arith.constant 0 : i32
    %broadcast_in_dim3A_548 = vector.broadcast %jit3A_547 : i32 to vector<16xi32>
    %select_n3A_549 = arith.select %and3A_543, %add3A_546, %broadcast_in_dim3A_548 : vector<16xi1>, vector<16xi32>
    %ge3A_550 = arith.constant 0 : i32
    %ge3A_551 = vector.broadcast %ge3A_550 : i32 to vector<16xi32>
    %ge3A_552 = arith.cmpi sge, %get3A_536, %ge3A_551 : vector<16xi32>
    %lt3A_553 = arith.constant 1000 : i32
    %lt3A_554 = vector.broadcast %lt3A_553 : i32 to vector<16xi32>
    %lt3A_555 = arith.cmpi slt, %get3A_536, %lt3A_554 : vector<16xi32>
    %and3A_556 = arith.andi %ge3A_552, %lt3A_555 : vector<16xi1>
    %add3A_557 = arith.constant 1 : i32
    %add3A_558 = vector.broadcast %add3A_557 : i32 to vector<16xi32>
    %add3A_559 = arith.addi %get3A_536, %add3A_558 : vector<16xi32>
    %jit3A_560 = arith.constant 0 : i32
    %broadcast_in_dim3A_561 = vector.broadcast %jit3A_560 : i32 to vector<16xi32>
    %select_n3A_562 = arith.select %and3A_556, %add3A_559, %broadcast_in_dim3A_561 : vector<16xi1>, vector<16xi32>
    %gather3A_563 = tpu.vector_load_idx %arg8[%select_n3A_549] : memref<2016xf32, #tpu.memory_space<vmem>>[vector<16xi32>], vector<16xf32>,
    %add3A_564 = arith.constant 1008 : i32
    %add3A_565 = vector.broadcast %add3A_564 : i32 to vector<16xi32>
    %add3A_566 = arith.addi %select_n3A_562, %add3A_565 : vector<16xi32>
    %gather3A_567 = tpu.vector_load_idx %arg8[%add3A_566] : memref<2016xf32, #tpu.memory_space<vmem>>[vector<16xi32>], vector<16xf32>,
    %add3A_568 = arith.addf %gather3A_563, %gather3A_567 : vector<16xf32>
    %add3A_569 = arith.constant 3.500000e+00 : f32
    %add3A_570 = vector.broadcast %add3A_569 : f32 to vector<16xf32>
    %add3A_571 = arith.addf %add3A_568, %add3A_570 : vector<16xf32>
    %swap3A_572 = arith.constant 208 : index
    %swap3A_573 = tpu.vector_load %arg9[%swap3A_572] {strides = array<i32>} : memref<512xf32, #tpu.memory_space<vmem>>, vector<16xf32>,
    tpu.vector_store %arg9[%swap3A_572], %add3A_571 {strides = array<i32>} : memref<512xf32, #tpu.memory_space<vmem>>, vector<16xf32>,
    %get3A_574 = arith.constant 224 : index
    %get3A_575 = tpu.vector_load %arg6[%get3A_574] {strides = array<i32>} : memref<512xi32, #tpu.memory_space<vmem>>, vector<16xi32>,
    %get3A_576 = arith.constant 224 : index
    %get3A_577 = tpu.vector_load %arg7[%get3A_576] {strides = array<i32>} : memref<512xi32, #tpu.memory_space<vmem>>, vector<16xi32>,
    %ge3A_578 = arith.constant 0 : i32
    %ge3A_579 = vector.broadcast %ge3A_578 : i32 to vector<16xi32>
    %ge3A_580 = arith.cmpi sge, %get3A_575, %ge3A_579 : vector<16xi32>
    %lt3A_581 = arith.constant 1000 : i32
    %lt3A_582 = vector.broadcast %lt3A_581 : i32 to vector<16xi32>
    %lt3A_583 = arith.cmpi slt, %get3A_575, %lt3A_582 : vector<16xi32>
    %and3A_584 = arith.andi %ge3A_580, %lt3A_583 : vector<16xi1>
    %add3A_585 = arith.constant 1 : i32
    %add3A_586 = vector.broadcast %add3A_585 : i32 to vector<16xi32>
    %add3A_587 = arith.addi %get3A_575, %add3A_586 : vector<16xi32>
    %jit3A_588 = arith.constant 0 : i32
    %broadcast_in_dim3A_589 = vector.broadcast %jit3A_588 : i32 to vector<16xi32>
    %select_n3A_590 = arith.select %and3A_584, %add3A_587, %broadcast_in_dim3A_589 : vector<16xi1>, vector<16xi32>
    %ge3A_591 = arith.constant 0 : i32
    %ge3A_592 = vector.broadcast %ge3A_591 : i32 to vector<16xi32>
    %ge3A_593 = arith.cmpi sge, %get3A_577, %ge3A_592 : vector<16xi32>
    %lt3A_594 = arith.constant 1000 : i32
    %lt3A_595 = vector.broadcast %lt3A_594 : i32 to vector<16xi32>
    %lt3A_596 = arith.cmpi slt, %get3A_577, %lt3A_595 : vector<16xi32>
    %and3A_597 = arith.andi %ge3A_593, %lt3A_596 : vector<16xi1>
    %add3A_598 = arith.constant 1 : i32
    %add3A_599 = vector.broadcast %add3A_598 : i32 to vector<16xi32>
    %add3A_600 = arith.addi %get3A_577, %add3A_599 : vector<16xi32>
    %jit3A_601 = arith.constant 0 : i32
    %broadcast_in_dim3A_602 = vector.broadcast %jit3A_601 : i32 to vector<16xi32>
    %select_n3A_603 = arith.select %and3A_597, %add3A_600, %broadcast_in_dim3A_602 : vector<16xi1>, vector<16xi32>
    %gather3A_604 = tpu.vector_load_idx %arg8[%select_n3A_590] : memref<2016xf32, #tpu.memory_space<vmem>>[vector<16xi32>], vector<16xf32>,
    %add3A_605 = arith.constant 1008 : i32
    %add3A_606 = vector.broadcast %add3A_605 : i32 to vector<16xi32>
    %add3A_607 = arith.addi %select_n3A_603, %add3A_606 : vector<16xi32>
    %gather3A_608 = tpu.vector_load_idx %arg8[%add3A_607] : memref<2016xf32, #tpu.memory_space<vmem>>[vector<16xi32>], vector<16xf32>,
    %add3A_609 = arith.addf %gather3A_604, %gather3A_608 : vector<16xf32>
    %add3A_610 = arith.constant 3.500000e+00 : f32
    %add3A_611 = vector.broadcast %add3A_610 : f32 to vector<16xf32>
    %add3A_612 = arith.addf %add3A_609, %add3A_611 : vector<16xf32>
    %swap3A_613 = arith.constant 224 : index
    %swap3A_614 = tpu.vector_load %arg9[%swap3A_613] {strides = array<i32>} : memref<512xf32, #tpu.memory_space<vmem>>, vector<16xf32>,
    tpu.vector_store %arg9[%swap3A_613], %add3A_612 {strides = array<i32>} : memref<512xf32, #tpu.memory_space<vmem>>, vector<16xf32>,
    %get3A_615 = arith.constant 240 : index
    %get3A_616 = tpu.vector_load %arg6[%get3A_615] {strides = array<i32>} : memref<512xi32, #tpu.memory_space<vmem>>, vector<16xi32>,
    %get3A_617 = arith.constant 240 : index
    %get3A_618 = tpu.vector_load %arg7[%get3A_617] {strides = array<i32>} : memref<512xi32, #tpu.memory_space<vmem>>, vector<16xi32>,
    %ge3A_619 = arith.constant 0 : i32
    %ge3A_620 = vector.broadcast %ge3A_619 : i32 to vector<16xi32>
    %ge3A_621 = arith.cmpi sge, %get3A_616, %ge3A_620 : vector<16xi32>
    %lt3A_622 = arith.constant 1000 : i32
    %lt3A_623 = vector.broadcast %lt3A_622 : i32 to vector<16xi32>
    %lt3A_624 = arith.cmpi slt, %get3A_616, %lt3A_623 : vector<16xi32>
    %and3A_625 = arith.andi %ge3A_621, %lt3A_624 : vector<16xi1>
    %add3A_626 = arith.constant 1 : i32
    %add3A_627 = vector.broadcast %add3A_626 : i32 to vector<16xi32>
    %add3A_628 = arith.addi %get3A_616, %add3A_627 : vector<16xi32>
    %jit3A_629 = arith.constant 0 : i32
    %broadcast_in_dim3A_630 = vector.broadcast %jit3A_629 : i32 to vector<16xi32>
    %select_n3A_631 = arith.select %and3A_625, %add3A_628, %broadcast_in_dim3A_630 : vector<16xi1>, vector<16xi32>
    %ge3A_632 = arith.constant 0 : i32
    %ge3A_633 = vector.broadcast %ge3A_632 : i32 to vector<16xi32>
    %ge3A_634 = arith.cmpi sge, %get3A_618, %ge3A_633 : vector<16xi32>
    %lt3A_635 = arith.constant 1000 : i32
    %lt3A_636 = vector.broadcast %lt3A_635 : i32 to vector<16xi32>
    %lt3A_637 = arith.cmpi slt, %get3A_618, %lt3A_636 : vector<16xi32>
    %and3A_638 = arith.andi %ge3A_634, %lt3A_637 : vector<16xi1>
    %add3A_639 = arith.constant 1 : i32
    %add3A_640 = vector.broadcast %add3A_639 : i32 to vector<16xi32>
    %add3A_641 = arith.addi %get3A_618, %add3A_640 : vector<16xi32>
    %jit3A_642 = arith.constant 0 : i32
    %broadcast_in_dim3A_643 = vector.broadcast %jit3A_642 : i32 to vector<16xi32>
    %select_n3A_644 = arith.select %and3A_638, %add3A_641, %broadcast_in_dim3A_643 : vector<16xi1>, vector<16xi32>
    %gather3A_645 = tpu.vector_load_idx %arg8[%select_n3A_631] : memref<2016xf32, #tpu.memory_space<vmem>>[vector<16xi32>], vector<16xf32>,
    %add3A_646 = arith.constant 1008 : i32
    %add3A_647 = vector.broadcast %add3A_646 : i32 to vector<16xi32>
    %add3A_648 = arith.addi %select_n3A_644, %add3A_647 : vector<16xi32>
    %gather3A_649 = tpu.vector_load_idx %arg8[%add3A_648] : memref<2016xf32, #tpu.memory_space<vmem>>[vector<16xi32>], vector<16xf32>,
    %add3A_650 = arith.addf %gather3A_645, %gather3A_649 : vector<16xf32>
    %add3A_651 = arith.constant 3.500000e+00 : f32
    %add3A_652 = vector.broadcast %add3A_651 : f32 to vector<16xf32>
    %add3A_653 = arith.addf %add3A_650, %add3A_652 : vector<16xf32>
    %swap3A_654 = arith.constant 240 : index
    %swap3A_655 = tpu.vector_load %arg9[%swap3A_654] {strides = array<i32>} : memref<512xf32, #tpu.memory_space<vmem>>, vector<16xf32>,
    tpu.vector_store %arg9[%swap3A_654], %add3A_653 {strides = array<i32>} : memref<512xf32, #tpu.memory_space<vmem>>, vector<16xf32>,
    %get3A_656 = arith.constant 256 : index
    %get3A_657 = tpu.vector_load %arg6[%get3A_656] {strides = array<i32>} : memref<512xi32, #tpu.memory_space<vmem>>, vector<16xi32>,
    %get3A_658 = arith.constant 256 : index
    %get3A_659 = tpu.vector_load %arg7[%get3A_658] {strides = array<i32>} : memref<512xi32, #tpu.memory_space<vmem>>, vector<16xi32>,
    %ge3A_660 = arith.constant 0 : i32
    %ge3A_661 = vector.broadcast %ge3A_660 : i32 to vector<16xi32>
    %ge3A_662 = arith.cmpi sge, %get3A_657, %ge3A_661 : vector<16xi32>
    %lt3A_663 = arith.constant 1000 : i32
    %lt3A_664 = vector.broadcast %lt3A_663 : i32 to vector<16xi32>
    %lt3A_665 = arith.cmpi slt, %get3A_657, %lt3A_664 : vector<16xi32>
    %and3A_666 = arith.andi %ge3A_662, %lt3A_665 : vector<16xi1>
    %add3A_667 = arith.constant 1 : i32
    %add3A_668 = vector.broadcast %add3A_667 : i32 to vector<16xi32>
    %add3A_669 = arith.addi %get3A_657, %add3A_668 : vector<16xi32>
    %jit3A_670 = arith.constant 0 : i32
    %broadcast_in_dim3A_671 = vector.broadcast %jit3A_670 : i32 to vector<16xi32>
    %select_n3A_672 = arith.select %and3A_666, %add3A_669, %broadcast_in_dim3A_671 : vector<16xi1>, vector<16xi32>
    %ge3A_673 = arith.constant 0 : i32
    %ge3A_674 = vector.broadcast %ge3A_673 : i32 to vector<16xi32>
    %ge3A_675 = arith.cmpi sge, %get3A_659, %ge3A_674 : vector<16xi32>
    %lt3A_676 = arith.constant 1000 : i32
    %lt3A_677 = vector.broadcast %lt3A_676 : i32 to vector<16xi32>
    %lt3A_678 = arith.cmpi slt, %get3A_659, %lt3A_677 : vector<16xi32>
    %and3A_679 = arith.andi %ge3A_675, %lt3A_678 : vector<16xi1>
    %add3A_680 = arith.constant 1 : i32
    %add3A_681 = vector.broadcast %add3A_680 : i32 to vector<16xi32>
    %add3A_682 = arith.addi %get3A_659, %add3A_681 : vector<16xi32>
    %jit3A_683 = arith.constant 0 : i32
    %broadcast_in_dim3A_684 = vector.broadcast %jit3A_683 : i32 to vector<16xi32>
    %select_n3A_685 = arith.select %and3A_679, %add3A_682, %broadcast_in_dim3A_684 : vector<16xi1>, vector<16xi32>
    %gather3A_686 = tpu.vector_load_idx %arg8[%select_n3A_672] : memref<2016xf32, #tpu.memory_space<vmem>>[vector<16xi32>], vector<16xf32>,
    %add3A_687 = arith.constant 1008 : i32
    %add3A_688 = vector.broadcast %add3A_687 : i32 to vector<16xi32>
    %add3A_689 = arith.addi %select_n3A_685, %add3A_688 : vector<16xi32>
    %gather3A_690 = tpu.vector_load_idx %arg8[%add3A_689] : memref<2016xf32, #tpu.memory_space<vmem>>[vector<16xi32>], vector<16xf32>,
    %add3A_691 = arith.addf %gather3A_686, %gather3A_690 : vector<16xf32>
    %add3A_692 = arith.constant 3.500000e+00 : f32
    %add3A_693 = vector.broadcast %add3A_692 : f32 to vector<16xf32>
    %add3A_694 = arith.addf %add3A_691, %add3A_693 : vector<16xf32>
    %swap3A_695 = arith.constant 256 : index
    %swap3A_696 = tpu.vector_load %arg9[%swap3A_695] {strides = array<i32>} : memref<512xf32, #tpu.memory_space<vmem>>, vector<16xf32>,
    tpu.vector_store %arg9[%swap3A_695], %add3A_694 {strides = array<i32>} : memref<512xf32, #tpu.memory_space<vmem>>, vector<16xf32>,
    %get3A_697 = arith.constant 272 : index
    %get3A_698 = tpu.vector_load %arg6[%get3A_697] {strides = array<i32>} : memref<512xi32, #tpu.memory_space<vmem>>, vector<16xi32>,
    %get3A_699 = arith.constant 272 : index
    %get3A_700 = tpu.vector_load %arg7[%get3A_699] {strides = array<i32>} : memref<512xi32, #tpu.memory_space<vmem>>, vector<16xi32>,
    %ge3A_701 = arith.constant 0 : i32
    %ge3A_702 = vector.broadcast %ge3A_701 : i32 to vector<16xi32>
    %ge3A_703 = arith.cmpi sge, %get3A_698, %ge3A_702 : vector<16xi32>
    %lt3A_704 = arith.constant 1000 : i32
    %lt3A_705 = vector.broadcast %lt3A_704 : i32 to vector<16xi32>
    %lt3A_706 = arith.cmpi slt, %get3A_698, %lt3A_705 : vector<16xi32>
    %and3A_707 = arith.andi %ge3A_703, %lt3A_706 : vector<16xi1>
    %add3A_708 = arith.constant 1 : i32
    %add3A_709 = vector.broadcast %add3A_708 : i32 to vector<16xi32>
    %add3A_710 = arith.addi %get3A_698, %add3A_709 : vector<16xi32>
    %jit3A_711 = arith.constant 0 : i32
    %broadcast_in_dim3A_712 = vector.broadcast %jit3A_711 : i32 to vector<16xi32>
    %select_n3A_713 = arith.select %and3A_707, %add3A_710, %broadcast_in_dim3A_712 : vector<16xi1>, vector<16xi32>
    %ge3A_714 = arith.constant 0 : i32
    %ge3A_715 = vector.broadcast %ge3A_714 : i32 to vector<16xi32>
    %ge3A_716 = arith.cmpi sge, %get3A_700, %ge3A_715 : vector<16xi32>
    %lt3A_717 = arith.constant 1000 : i32
    %lt3A_718 = vector.broadcast %lt3A_717 : i32 to vector<16xi32>
    %lt3A_719 = arith.cmpi slt, %get3A_700, %lt3A_718 : vector<16xi32>
    %and3A_720 = arith.andi %ge3A_716, %lt3A_719 : vector<16xi1>
    %add3A_721 = arith.constant 1 : i32
    %add3A_722 = vector.broadcast %add3A_721 : i32 to vector<16xi32>
    %add3A_723 = arith.addi %get3A_700, %add3A_722 : vector<16xi32>
    %jit3A_724 = arith.constant 0 : i32
    %broadcast_in_dim3A_725 = vector.broadcast %jit3A_724 : i32 to vector<16xi32>
    %select_n3A_726 = arith.select %and3A_720, %add3A_723, %broadcast_in_dim3A_725 : vector<16xi1>, vector<16xi32>
    %gather3A_727 = tpu.vector_load_idx %arg8[%select_n3A_713] : memref<2016xf32, #tpu.memory_space<vmem>>[vector<16xi32>], vector<16xf32>,
    %add3A_728 = arith.constant 1008 : i32
    %add3A_729 = vector.broadcast %add3A_728 : i32 to vector<16xi32>
    %add3A_730 = arith.addi %select_n3A_726, %add3A_729 : vector<16xi32>
    %gather3A_731 = tpu.vector_load_idx %arg8[%add3A_730] : memref<2016xf32, #tpu.memory_space<vmem>>[vector<16xi32>], vector<16xf32>,
    %add3A_732 = arith.addf %gather3A_727, %gather3A_731 : vector<16xf32>
    %add3A_733 = arith.constant 3.500000e+00 : f32
    %add3A_734 = vector.broadcast %add3A_733 : f32 to vector<16xf32>
    %add3A_735 = arith.addf %add3A_732, %add3A_734 : vector<16xf32>
    %swap3A_736 = arith.constant 272 : index
    %swap3A_737 = tpu.vector_load %arg9[%swap3A_736] {strides = array<i32>} : memref<512xf32, #tpu.memory_space<vmem>>, vector<16xf32>,
    tpu.vector_store %arg9[%swap3A_736], %add3A_735 {strides = array<i32>} : memref<512xf32, #tpu.memory_space<vmem>>, vector<16xf32>,
    %get3A_738 = arith.constant 288 : index
    %get3A_739 = tpu.vector_load %arg6[%get3A_738] {strides = array<i32>} : memref<512xi32, #tpu.memory_space<vmem>>, vector<16xi32>,
    %get3A_740 = arith.constant 288 : index
    %get3A_741 = tpu.vector_load %arg7[%get3A_740] {strides = array<i32>} : memref<512xi32, #tpu.memory_space<vmem>>, vector<16xi32>,
    %ge3A_742 = arith.constant 0 : i32
    %ge3A_743 = vector.broadcast %ge3A_742 : i32 to vector<16xi32>
    %ge3A_744 = arith.cmpi sge, %get3A_739, %ge3A_743 : vector<16xi32>
    %lt3A_745 = arith.constant 1000 : i32
    %lt3A_746 = vector.broadcast %lt3A_745 : i32 to vector<16xi32>
    %lt3A_747 = arith.cmpi slt, %get3A_739, %lt3A_746 : vector<16xi32>
    %and3A_748 = arith.andi %ge3A_744, %lt3A_747 : vector<16xi1>
    %add3A_749 = arith.constant 1 : i32
    %add3A_750 = vector.broadcast %add3A_749 : i32 to vector<16xi32>
    %add3A_751 = arith.addi %get3A_739, %add3A_750 : vector<16xi32>
    %jit3A_752 = arith.constant 0 : i32
    %broadcast_in_dim3A_753 = vector.broadcast %jit3A_752 : i32 to vector<16xi32>
    %select_n3A_754 = arith.select %and3A_748, %add3A_751, %broadcast_in_dim3A_753 : vector<16xi1>, vector<16xi32>
    %ge3A_755 = arith.constant 0 : i32
    %ge3A_756 = vector.broadcast %ge3A_755 : i32 to vector<16xi32>
    %ge3A_757 = arith.cmpi sge, %get3A_741, %ge3A_756 : vector<16xi32>
    %lt3A_758 = arith.constant 1000 : i32
    %lt3A_759 = vector.broadcast %lt3A_758 : i32 to vector<16xi32>
    %lt3A_760 = arith.cmpi slt, %get3A_741, %lt3A_759 : vector<16xi32>
    %and3A_761 = arith.andi %ge3A_757, %lt3A_760 : vector<16xi1>
    %add3A_762 = arith.constant 1 : i32
    %add3A_763 = vector.broadcast %add3A_762 : i32 to vector<16xi32>
    %add3A_764 = arith.addi %get3A_741, %add3A_763 : vector<16xi32>
    %jit3A_765 = arith.constant 0 : i32
    %broadcast_in_dim3A_766 = vector.broadcast %jit3A_765 : i32 to vector<16xi32>
    %select_n3A_767 = arith.select %and3A_761, %add3A_764, %broadcast_in_dim3A_766 : vector<16xi1>, vector<16xi32>
    %gather3A_768 = tpu.vector_load_idx %arg8[%select_n3A_754] : memref<2016xf32, #tpu.memory_space<vmem>>[vector<16xi32>], vector<16xf32>,
    %add3A_769 = arith.constant 1008 : i32
    %add3A_770 = vector.broadcast %add3A_769 : i32 to vector<16xi32>
    %add3A_771 = arith.addi %select_n3A_767, %add3A_770 : vector<16xi32>
    %gather3A_772 = tpu.vector_load_idx %arg8[%add3A_771] : memref<2016xf32, #tpu.memory_space<vmem>>[vector<16xi32>], vector<16xf32>,
    %add3A_773 = arith.addf %gather3A_768, %gather3A_772 : vector<16xf32>
    %add3A_774 = arith.constant 3.500000e+00 : f32
    %add3A_775 = vector.broadcast %add3A_774 : f32 to vector<16xf32>
    %add3A_776 = arith.addf %add3A_773, %add3A_775 : vector<16xf32>
    %swap3A_777 = arith.constant 288 : index
    %swap3A_778 = tpu.vector_load %arg9[%swap3A_777] {strides = array<i32>} : memref<512xf32, #tpu.memory_space<vmem>>, vector<16xf32>,
    tpu.vector_store %arg9[%swap3A_777], %add3A_776 {strides = array<i32>} : memref<512xf32, #tpu.memory_space<vmem>>, vector<16xf32>,
    %get3A_779 = arith.constant 304 : index
    %get3A_780 = tpu.vector_load %arg6[%get3A_779] {strides = array<i32>} : memref<512xi32, #tpu.memory_space<vmem>>, vector<16xi32>,
    %get3A_781 = arith.constant 304 : index
    %get3A_782 = tpu.vector_load %arg7[%get3A_781] {strides = array<i32>} : memref<512xi32, #tpu.memory_space<vmem>>, vector<16xi32>,
    %ge3A_783 = arith.constant 0 : i32
    %ge3A_784 = vector.broadcast %ge3A_783 : i32 to vector<16xi32>
    %ge3A_785 = arith.cmpi sge, %get3A_780, %ge3A_784 : vector<16xi32>
    %lt3A_786 = arith.constant 1000 : i32
    %lt3A_787 = vector.broadcast %lt3A_786 : i32 to vector<16xi32>
    %lt3A_788 = arith.cmpi slt, %get3A_780, %lt3A_787 : vector<16xi32>
    %and3A_789 = arith.andi %ge3A_785, %lt3A_788 : vector<16xi1>
    %add3A_790 = arith.constant 1 : i32
    %add3A_791 = vector.broadcast %add3A_790 : i32 to vector<16xi32>
    %add3A_792 = arith.addi %get3A_780, %add3A_791 : vector<16xi32>
    %jit3A_793 = arith.constant 0 : i32
    %broadcast_in_dim3A_794 = vector.broadcast %jit3A_793 : i32 to vector<16xi32>
    %select_n3A_795 = arith.select %and3A_789, %add3A_792, %broadcast_in_dim3A_794 : vector<16xi1>, vector<16xi32>
    %ge3A_796 = arith.constant 0 : i32
    %ge3A_797 = vector.broadcast %ge3A_796 : i32 to vector<16xi32>
    %ge3A_798 = arith.cmpi sge, %get3A_782, %ge3A_797 : vector<16xi32>
    %lt3A_799 = arith.constant 1000 : i32
    %lt3A_800 = vector.broadcast %lt3A_799 : i32 to vector<16xi32>
    %lt3A_801 = arith.cmpi slt, %get3A_782, %lt3A_800 : vector<16xi32>
    %and3A_802 = arith.andi %ge3A_798, %lt3A_801 : vector<16xi1>
    %add3A_803 = arith.constant 1 : i32
    %add3A_804 = vector.broadcast %add3A_803 : i32 to vector<16xi32>
    %add3A_805 = arith.addi %get3A_782, %add3A_804 : vector<16xi32>
    %jit3A_806 = arith.constant 0 : i32
    %broadcast_in_dim3A_807 = vector.broadcast %jit3A_806 : i32 to vector<16xi32>
    %select_n3A_808 = arith.select %and3A_802, %add3A_805, %broadcast_in_dim3A_807 : vector<16xi1>, vector<16xi32>
    %gather3A_809 = tpu.vector_load_idx %arg8[%select_n3A_795] : memref<2016xf32, #tpu.memory_space<vmem>>[vector<16xi32>], vector<16xf32>,
    %add3A_810 = arith.constant 1008 : i32
    %add3A_811 = vector.broadcast %add3A_810 : i32 to vector<16xi32>
    %add3A_812 = arith.addi %select_n3A_808, %add3A_811 : vector<16xi32>
    %gather3A_813 = tpu.vector_load_idx %arg8[%add3A_812] : memref<2016xf32, #tpu.memory_space<vmem>>[vector<16xi32>], vector<16xf32>,
    %add3A_814 = arith.addf %gather3A_809, %gather3A_813 : vector<16xf32>
    %add3A_815 = arith.constant 3.500000e+00 : f32
    %add3A_816 = vector.broadcast %add3A_815 : f32 to vector<16xf32>
    %add3A_817 = arith.addf %add3A_814, %add3A_816 : vector<16xf32>
    %swap3A_818 = arith.constant 304 : index
    %swap3A_819 = tpu.vector_load %arg9[%swap3A_818] {strides = array<i32>} : memref<512xf32, #tpu.memory_space<vmem>>, vector<16xf32>,
    tpu.vector_store %arg9[%swap3A_818], %add3A_817 {strides = array<i32>} : memref<512xf32, #tpu.memory_space<vmem>>, vector<16xf32>,
    %get3A_820 = arith.constant 320 : index
    %get3A_821 = tpu.vector_load %arg6[%get3A_820] {strides = array<i32>} : memref<512xi32, #tpu.memory_space<vmem>>, vector<16xi32>,
    %get3A_822 = arith.constant 320 : index
    %get3A_823 = tpu.vector_load %arg7[%get3A_822] {strides = array<i32>} : memref<512xi32, #tpu.memory_space<vmem>>, vector<16xi32>,
    %ge3A_824 = arith.constant 0 : i32
    %ge3A_825 = vector.broadcast %ge3A_824 : i32 to vector<16xi32>
    %ge3A_826 = arith.cmpi sge, %get3A_821, %ge3A_825 : vector<16xi32>
    %lt3A_827 = arith.constant 1000 : i32
    %lt3A_828 = vector.broadcast %lt3A_827 : i32 to vector<16xi32>
    %lt3A_829 = arith.cmpi slt, %get3A_821, %lt3A_828 : vector<16xi32>
    %and3A_830 = arith.andi %ge3A_826, %lt3A_829 : vector<16xi1>
    %add3A_831 = arith.constant 1 : i32
    %add3A_832 = vector.broadcast %add3A_831 : i32 to vector<16xi32>
    %add3A_833 = arith.addi %get3A_821, %add3A_832 : vector<16xi32>
    %jit3A_834 = arith.constant 0 : i32
    %broadcast_in_dim3A_835 = vector.broadcast %jit3A_834 : i32 to vector<16xi32>
    %select_n3A_836 = arith.select %and3A_830, %add3A_833, %broadcast_in_dim3A_835 : vector<16xi1>, vector<16xi32>
    %ge3A_837 = arith.constant 0 : i32
    %ge3A_838 = vector.broadcast %ge3A_837 : i32 to vector<16xi32>
    %ge3A_839 = arith.cmpi sge, %get3A_823, %ge3A_838 : vector<16xi32>
    %lt3A_840 = arith.constant 1000 : i32
    %lt3A_841 = vector.broadcast %lt3A_840 : i32 to vector<16xi32>
    %lt3A_842 = arith.cmpi slt, %get3A_823, %lt3A_841 : vector<16xi32>
    %and3A_843 = arith.andi %ge3A_839, %lt3A_842 : vector<16xi1>
    %add3A_844 = arith.constant 1 : i32
    %add3A_845 = vector.broadcast %add3A_844 : i32 to vector<16xi32>
    %add3A_846 = arith.addi %get3A_823, %add3A_845 : vector<16xi32>
    %jit3A_847 = arith.constant 0 : i32
    %broadcast_in_dim3A_848 = vector.broadcast %jit3A_847 : i32 to vector<16xi32>
    %select_n3A_849 = arith.select %and3A_843, %add3A_846, %broadcast_in_dim3A_848 : vector<16xi1>, vector<16xi32>
    %gather3A_850 = tpu.vector_load_idx %arg8[%select_n3A_836] : memref<2016xf32, #tpu.memory_space<vmem>>[vector<16xi32>], vector<16xf32>,
    %add3A_851 = arith.constant 1008 : i32
    %add3A_852 = vector.broadcast %add3A_851 : i32 to vector<16xi32>
    %add3A_853 = arith.addi %select_n3A_849, %add3A_852 : vector<16xi32>
    %gather3A_854 = tpu.vector_load_idx %arg8[%add3A_853] : memref<2016xf32, #tpu.memory_space<vmem>>[vector<16xi32>], vector<16xf32>,
    %add3A_855 = arith.addf %gather3A_850, %gather3A_854 : vector<16xf32>
    %add3A_856 = arith.constant 3.500000e+00 : f32
    %add3A_857 = vector.broadcast %add3A_856 : f32 to vector<16xf32>
    %add3A_858 = arith.addf %add3A_855, %add3A_857 : vector<16xf32>
    %swap3A_859 = arith.constant 320 : index
    %swap3A_860 = tpu.vector_load %arg9[%swap3A_859] {strides = array<i32>} : memref<512xf32, #tpu.memory_space<vmem>>, vector<16xf32>,
    tpu.vector_store %arg9[%swap3A_859], %add3A_858 {strides = array<i32>} : memref<512xf32, #tpu.memory_space<vmem>>, vector<16xf32>,
    %get3A_861 = arith.constant 336 : index
    %get3A_862 = tpu.vector_load %arg6[%get3A_861] {strides = array<i32>} : memref<512xi32, #tpu.memory_space<vmem>>, vector<16xi32>,
    %get3A_863 = arith.constant 336 : index
    %get3A_864 = tpu.vector_load %arg7[%get3A_863] {strides = array<i32>} : memref<512xi32, #tpu.memory_space<vmem>>, vector<16xi32>,
    %ge3A_865 = arith.constant 0 : i32
    %ge3A_866 = vector.broadcast %ge3A_865 : i32 to vector<16xi32>
    %ge3A_867 = arith.cmpi sge, %get3A_862, %ge3A_866 : vector<16xi32>
    %lt3A_868 = arith.constant 1000 : i32
    %lt3A_869 = vector.broadcast %lt3A_868 : i32 to vector<16xi32>
    %lt3A_870 = arith.cmpi slt, %get3A_862, %lt3A_869 : vector<16xi32>
    %and3A_871 = arith.andi %ge3A_867, %lt3A_870 : vector<16xi1>
    %add3A_872 = arith.constant 1 : i32
    %add3A_873 = vector.broadcast %add3A_872 : i32 to vector<16xi32>
    %add3A_874 = arith.addi %get3A_862, %add3A_873 : vector<16xi32>
    %jit3A_875 = arith.constant 0 : i32
    %broadcast_in_dim3A_876 = vector.broadcast %jit3A_875 : i32 to vector<16xi32>
    %select_n3A_877 = arith.select %and3A_871, %add3A_874, %broadcast_in_dim3A_876 : vector<16xi1>, vector<16xi32>
    %ge3A_878 = arith.constant 0 : i32
    %ge3A_879 = vector.broadcast %ge3A_878 : i32 to vector<16xi32>
    %ge3A_880 = arith.cmpi sge, %get3A_864, %ge3A_879 : vector<16xi32>
    %lt3A_881 = arith.constant 1000 : i32
    %lt3A_882 = vector.broadcast %lt3A_881 : i32 to vector<16xi32>
    %lt3A_883 = arith.cmpi slt, %get3A_864, %lt3A_882 : vector<16xi32>
    %and3A_884 = arith.andi %ge3A_880, %lt3A_883 : vector<16xi1>
    %add3A_885 = arith.constant 1 : i32
    %add3A_886 = vector.broadcast %add3A_885 : i32 to vector<16xi32>
    %add3A_887 = arith.addi %get3A_864, %add3A_886 : vector<16xi32>
    %jit3A_888 = arith.constant 0 : i32
    %broadcast_in_dim3A_889 = vector.broadcast %jit3A_888 : i32 to vector<16xi32>
    %select_n3A_890 = arith.select %and3A_884, %add3A_887, %broadcast_in_dim3A_889 : vector<16xi1>, vector<16xi32>
    %gather3A_891 = tpu.vector_load_idx %arg8[%select_n3A_877] : memref<2016xf32, #tpu.memory_space<vmem>>[vector<16xi32>], vector<16xf32>,
    %add3A_892 = arith.constant 1008 : i32
    %add3A_893 = vector.broadcast %add3A_892 : i32 to vector<16xi32>
    %add3A_894 = arith.addi %select_n3A_890, %add3A_893 : vector<16xi32>
    %gather3A_895 = tpu.vector_load_idx %arg8[%add3A_894] : memref<2016xf32, #tpu.memory_space<vmem>>[vector<16xi32>], vector<16xf32>,
    %add3A_896 = arith.addf %gather3A_891, %gather3A_895 : vector<16xf32>
    %add3A_897 = arith.constant 3.500000e+00 : f32
    %add3A_898 = vector.broadcast %add3A_897 : f32 to vector<16xf32>
    %add3A_899 = arith.addf %add3A_896, %add3A_898 : vector<16xf32>
    %swap3A_900 = arith.constant 336 : index
    %swap3A_901 = tpu.vector_load %arg9[%swap3A_900] {strides = array<i32>} : memref<512xf32, #tpu.memory_space<vmem>>, vector<16xf32>,
    tpu.vector_store %arg9[%swap3A_900], %add3A_899 {strides = array<i32>} : memref<512xf32, #tpu.memory_space<vmem>>, vector<16xf32>,
    %get3A_902 = arith.constant 352 : index
    %get3A_903 = tpu.vector_load %arg6[%get3A_902] {strides = array<i32>} : memref<512xi32, #tpu.memory_space<vmem>>, vector<16xi32>,
    %get3A_904 = arith.constant 352 : index
    %get3A_905 = tpu.vector_load %arg7[%get3A_904] {strides = array<i32>} : memref<512xi32, #tpu.memory_space<vmem>>, vector<16xi32>,
    %ge3A_906 = arith.constant 0 : i32
    %ge3A_907 = vector.broadcast %ge3A_906 : i32 to vector<16xi32>
    %ge3A_908 = arith.cmpi sge, %get3A_903, %ge3A_907 : vector<16xi32>
    %lt3A_909 = arith.constant 1000 : i32
    %lt3A_910 = vector.broadcast %lt3A_909 : i32 to vector<16xi32>
    %lt3A_911 = arith.cmpi slt, %get3A_903, %lt3A_910 : vector<16xi32>
    %and3A_912 = arith.andi %ge3A_908, %lt3A_911 : vector<16xi1>
    %add3A_913 = arith.constant 1 : i32
    %add3A_914 = vector.broadcast %add3A_913 : i32 to vector<16xi32>
    %add3A_915 = arith.addi %get3A_903, %add3A_914 : vector<16xi32>
    %jit3A_916 = arith.constant 0 : i32
    %broadcast_in_dim3A_917 = vector.broadcast %jit3A_916 : i32 to vector<16xi32>
    %select_n3A_918 = arith.select %and3A_912, %add3A_915, %broadcast_in_dim3A_917 : vector<16xi1>, vector<16xi32>
    %ge3A_919 = arith.constant 0 : i32
    %ge3A_920 = vector.broadcast %ge3A_919 : i32 to vector<16xi32>
    %ge3A_921 = arith.cmpi sge, %get3A_905, %ge3A_920 : vector<16xi32>
    %lt3A_922 = arith.constant 1000 : i32
    %lt3A_923 = vector.broadcast %lt3A_922 : i32 to vector<16xi32>
    %lt3A_924 = arith.cmpi slt, %get3A_905, %lt3A_923 : vector<16xi32>
    %and3A_925 = arith.andi %ge3A_921, %lt3A_924 : vector<16xi1>
    %add3A_926 = arith.constant 1 : i32
    %add3A_927 = vector.broadcast %add3A_926 : i32 to vector<16xi32>
    %add3A_928 = arith.addi %get3A_905, %add3A_927 : vector<16xi32>
    %jit3A_929 = arith.constant 0 : i32
    %broadcast_in_dim3A_930 = vector.broadcast %jit3A_929 : i32 to vector<16xi32>
    %select_n3A_931 = arith.select %and3A_925, %add3A_928, %broadcast_in_dim3A_930 : vector<16xi1>, vector<16xi32>
    %gather3A_932 = tpu.vector_load_idx %arg8[%select_n3A_918] : memref<2016xf32, #tpu.memory_space<vmem>>[vector<16xi32>], vector<16xf32>,
    %add3A_933 = arith.constant 1008 : i32
    %add3A_934 = vector.broadcast %add3A_933 : i32 to vector<16xi32>
    %add3A_935 = arith.addi %select_n3A_931, %add3A_934 : vector<16xi32>
    %gather3A_936 = tpu.vector_load_idx %arg8[%add3A_935] : memref<2016xf32, #tpu.memory_space<vmem>>[vector<16xi32>], vector<16xf32>,
    %add3A_937 = arith.addf %gather3A_932, %gather3A_936 : vector<16xf32>
    %add3A_938 = arith.constant 3.500000e+00 : f32
    %add3A_939 = vector.broadcast %add3A_938 : f32 to vector<16xf32>
    %add3A_940 = arith.addf %add3A_937, %add3A_939 : vector<16xf32>
    %swap3A_941 = arith.constant 352 : index
    %swap3A_942 = tpu.vector_load %arg9[%swap3A_941] {strides = array<i32>} : memref<512xf32, #tpu.memory_space<vmem>>, vector<16xf32>,
    tpu.vector_store %arg9[%swap3A_941], %add3A_940 {strides = array<i32>} : memref<512xf32, #tpu.memory_space<vmem>>, vector<16xf32>,
    %get3A_943 = arith.constant 368 : index
    %get3A_944 = tpu.vector_load %arg6[%get3A_943] {strides = array<i32>} : memref<512xi32, #tpu.memory_space<vmem>>, vector<16xi32>,
    %get3A_945 = arith.constant 368 : index
    %get3A_946 = tpu.vector_load %arg7[%get3A_945] {strides = array<i32>} : memref<512xi32, #tpu.memory_space<vmem>>, vector<16xi32>,
    %ge3A_947 = arith.constant 0 : i32
    %ge3A_948 = vector.broadcast %ge3A_947 : i32 to vector<16xi32>
    %ge3A_949 = arith.cmpi sge, %get3A_944, %ge3A_948 : vector<16xi32>
    %lt3A_950 = arith.constant 1000 : i32
    %lt3A_951 = vector.broadcast %lt3A_950 : i32 to vector<16xi32>
    %lt3A_952 = arith.cmpi slt, %get3A_944, %lt3A_951 : vector<16xi32>
    %and3A_953 = arith.andi %ge3A_949, %lt3A_952 : vector<16xi1>
    %add3A_954 = arith.constant 1 : i32
    %add3A_955 = vector.broadcast %add3A_954 : i32 to vector<16xi32>
    %add3A_956 = arith.addi %get3A_944, %add3A_955 : vector<16xi32>
    %jit3A_957 = arith.constant 0 : i32
    %broadcast_in_dim3A_958 = vector.broadcast %jit3A_957 : i32 to vector<16xi32>
    %select_n3A_959 = arith.select %and3A_953, %add3A_956, %broadcast_in_dim3A_958 : vector<16xi1>, vector<16xi32>
    %ge3A_960 = arith.constant 0 : i32
    %ge3A_961 = vector.broadcast %ge3A_960 : i32 to vector<16xi32>
    %ge3A_962 = arith.cmpi sge, %get3A_946, %ge3A_961 : vector<16xi32>
    %lt3A_963 = arith.constant 1000 : i32
    %lt3A_964 = vector.broadcast %lt3A_963 : i32 to vector<16xi32>
    %lt3A_965 = arith.cmpi slt, %get3A_946, %lt3A_964 : vector<16xi32>
    %and3A_966 = arith.andi %ge3A_962, %lt3A_965 : vector<16xi1>
    %add3A_967 = arith.constant 1 : i32
    %add3A_968 = vector.broadcast %add3A_967 : i32 to vector<16xi32>
    %add3A_969 = arith.addi %get3A_946, %add3A_968 : vector<16xi32>
    %jit3A_970 = arith.constant 0 : i32
    %broadcast_in_dim3A_971 = vector.broadcast %jit3A_970 : i32 to vector<16xi32>
    %select_n3A_972 = arith.select %and3A_966, %add3A_969, %broadcast_in_dim3A_971 : vector<16xi1>, vector<16xi32>
    %gather3A_973 = tpu.vector_load_idx %arg8[%select_n3A_959] : memref<2016xf32, #tpu.memory_space<vmem>>[vector<16xi32>], vector<16xf32>,
    %add3A_974 = arith.constant 1008 : i32
    %add3A_975 = vector.broadcast %add3A_974 : i32 to vector<16xi32>
    %add3A_976 = arith.addi %select_n3A_972, %add3A_975 : vector<16xi32>
    %gather3A_977 = tpu.vector_load_idx %arg8[%add3A_976] : memref<2016xf32, #tpu.memory_space<vmem>>[vector<16xi32>], vector<16xf32>,
    %add3A_978 = arith.addf %gather3A_973, %gather3A_977 : vector<16xf32>
    %add3A_979 = arith.constant 3.500000e+00 : f32
    %add3A_980 = vector.broadcast %add3A_979 : f32 to vector<16xf32>
    %add3A_981 = arith.addf %add3A_978, %add3A_980 : vector<16xf32>
    %swap3A_982 = arith.constant 368 : index
    %swap3A_983 = tpu.vector_load %arg9[%swap3A_982] {strides = array<i32>} : memref<512xf32, #tpu.memory_space<vmem>>, vector<16xf32>,
    tpu.vector_store %arg9[%swap3A_982], %add3A_981 {strides = array<i32>} : memref<512xf32, #tpu.memory_space<vmem>>, vector<16xf32>,
    %get3A_984 = arith.constant 384 : index
    %get3A_985 = tpu.vector_load %arg6[%get3A_984] {strides = array<i32>} : memref<512xi32, #tpu.memory_space<vmem>>, vector<16xi32>,
    %get3A_986 = arith.constant 384 : index
    %get3A_987 = tpu.vector_load %arg7[%get3A_986] {strides = array<i32>} : memref<512xi32, #tpu.memory_space<vmem>>, vector<16xi32>,
    %ge3A_988 = arith.constant 0 : i32
    %ge3A_989 = vector.broadcast %ge3A_988 : i32 to vector<16xi32>
    %ge3A_990 = arith.cmpi sge, %get3A_985, %ge3A_989 : vector<16xi32>
    %lt3A_991 = arith.constant 1000 : i32
    %lt3A_992 = vector.broadcast %lt3A_991 : i32 to vector<16xi32>
    %lt3A_993 = arith.cmpi slt, %get3A_985, %lt3A_992 : vector<16xi32>
    %and3A_994 = arith.andi %ge3A_990, %lt3A_993 : vector<16xi1>
    %add3A_995 = arith.constant 1 : i32
    %add3A_996 = vector.broadcast %add3A_995 : i32 to vector<16xi32>
    %add3A_997 = arith.addi %get3A_985, %add3A_996 : vector<16xi32>
    %jit3A_998 = arith.constant 0 : i32
    %broadcast_in_dim3A_999 = vector.broadcast %jit3A_998 : i32 to vector<16xi32>
    %select_n3A_1000 = arith.select %and3A_994, %add3A_997, %broadcast_in_dim3A_999 : vector<16xi1>, vector<16xi32>
    %ge3A_1001 = arith.constant 0 : i32
    %ge3A_1002 = vector.broadcast %ge3A_1001 : i32 to vector<16xi32>
    %ge3A_1003 = arith.cmpi sge, %get3A_987, %ge3A_1002 : vector<16xi32>
    %lt3A_1004 = arith.constant 1000 : i32
    %lt3A_1005 = vector.broadcast %lt3A_1004 : i32 to vector<16xi32>
    %lt3A_1006 = arith.cmpi slt, %get3A_987, %lt3A_1005 : vector<16xi32>
    %and3A_1007 = arith.andi %ge3A_1003, %lt3A_1006 : vector<16xi1>
    %add3A_1008 = arith.constant 1 : i32
    %add3A_1009 = vector.broadcast %add3A_1008 : i32 to vector<16xi32>
    %add3A_1010 = arith.addi %get3A_987, %add3A_1009 : vector<16xi32>
    %jit3A_1011 = arith.constant 0 : i32
    %broadcast_in_dim3A_1012 = vector.broadcast %jit3A_1011 : i32 to vector<16xi32>
    %select_n3A_1013 = arith.select %and3A_1007, %add3A_1010, %broadcast_in_dim3A_1012 : vector<16xi1>, vector<16xi32>
    %gather3A_1014 = tpu.vector_load_idx %arg8[%select_n3A_1000] : memref<2016xf32, #tpu.memory_space<vmem>>[vector<16xi32>], vector<16xf32>,
    %add3A_1015 = arith.constant 1008 : i32
    %add3A_1016 = vector.broadcast %add3A_1015 : i32 to vector<16xi32>
    %add3A_1017 = arith.addi %select_n3A_1013, %add3A_1016 : vector<16xi32>
    %gather3A_1018 = tpu.vector_load_idx %arg8[%add3A_1017] : memref<2016xf32, #tpu.memory_space<vmem>>[vector<16xi32>], vector<16xf32>,
    %add3A_1019 = arith.addf %gather3A_1014, %gather3A_1018 : vector<16xf32>
    %add3A_1020 = arith.constant 3.500000e+00 : f32
    %add3A_1021 = vector.broadcast %add3A_1020 : f32 to vector<16xf32>
    %add3A_1022 = arith.addf %add3A_1019, %add3A_1021 : vector<16xf32>
    %swap3A_1023 = arith.constant 384 : index
    %swap3A_1024 = tpu.vector_load %arg9[%swap3A_1023] {strides = array<i32>} : memref<512xf32, #tpu.memory_space<vmem>>, vector<16xf32>,
    tpu.vector_store %arg9[%swap3A_1023], %add3A_1022 {strides = array<i32>} : memref<512xf32, #tpu.memory_space<vmem>>, vector<16xf32>,
    %get3A_1025 = arith.constant 400 : index
    %get3A_1026 = tpu.vector_load %arg6[%get3A_1025] {strides = array<i32>} : memref<512xi32, #tpu.memory_space<vmem>>, vector<16xi32>,
    %get3A_1027 = arith.constant 400 : index
    %get3A_1028 = tpu.vector_load %arg7[%get3A_1027] {strides = array<i32>} : memref<512xi32, #tpu.memory_space<vmem>>, vector<16xi32>,
    %ge3A_1029 = arith.constant 0 : i32
    %ge3A_1030 = vector.broadcast %ge3A_1029 : i32 to vector<16xi32>
    %ge3A_1031 = arith.cmpi sge, %get3A_1026, %ge3A_1030 : vector<16xi32>
    %lt3A_1032 = arith.constant 1000 : i32
    %lt3A_1033 = vector.broadcast %lt3A_1032 : i32 to vector<16xi32>
    %lt3A_1034 = arith.cmpi slt, %get3A_1026, %lt3A_1033 : vector<16xi32>
    %and3A_1035 = arith.andi %ge3A_1031, %lt3A_1034 : vector<16xi1>
    %add3A_1036 = arith.constant 1 : i32
    %add3A_1037 = vector.broadcast %add3A_1036 : i32 to vector<16xi32>
    %add3A_1038 = arith.addi %get3A_1026, %add3A_1037 : vector<16xi32>
    %jit3A_1039 = arith.constant 0 : i32
    %broadcast_in_dim3A_1040 = vector.broadcast %jit3A_1039 : i32 to vector<16xi32>
    %select_n3A_1041 = arith.select %and3A_1035, %add3A_1038, %broadcast_in_dim3A_1040 : vector<16xi1>, vector<16xi32>
    %ge3A_1042 = arith.constant 0 : i32
    %ge3A_1043 = vector.broadcast %ge3A_1042 : i32 to vector<16xi32>
    %ge3A_1044 = arith.cmpi sge, %get3A_1028, %ge3A_1043 : vector<16xi32>
    %lt3A_1045 = arith.constant 1000 : i32
    %lt3A_1046 = vector.broadcast %lt3A_1045 : i32 to vector<16xi32>
    %lt3A_1047 = arith.cmpi slt, %get3A_1028, %lt3A_1046 : vector<16xi32>
    %and3A_1048 = arith.andi %ge3A_1044, %lt3A_1047 : vector<16xi1>
    %add3A_1049 = arith.constant 1 : i32
    %add3A_1050 = vector.broadcast %add3A_1049 : i32 to vector<16xi32>
    %add3A_1051 = arith.addi %get3A_1028, %add3A_1050 : vector<16xi32>
    %jit3A_1052 = arith.constant 0 : i32
    %broadcast_in_dim3A_1053 = vector.broadcast %jit3A_1052 : i32 to vector<16xi32>
    %select_n3A_1054 = arith.select %and3A_1048, %add3A_1051, %broadcast_in_dim3A_1053 : vector<16xi1>, vector<16xi32>
    %gather3A_1055 = tpu.vector_load_idx %arg8[%select_n3A_1041] : memref<2016xf32, #tpu.memory_space<vmem>>[vector<16xi32>], vector<16xf32>,
    %add3A_1056 = arith.constant 1008 : i32
    %add3A_1057 = vector.broadcast %add3A_1056 : i32 to vector<16xi32>
    %add3A_1058 = arith.addi %select_n3A_1054, %add3A_1057 : vector<16xi32>
    %gather3A_1059 = tpu.vector_load_idx %arg8[%add3A_1058] : memref<2016xf32, #tpu.memory_space<vmem>>[vector<16xi32>], vector<16xf32>,
    %add3A_1060 = arith.addf %gather3A_1055, %gather3A_1059 : vector<16xf32>
    %add3A_1061 = arith.constant 3.500000e+00 : f32
    %add3A_1062 = vector.broadcast %add3A_1061 : f32 to vector<16xf32>
    %add3A_1063 = arith.addf %add3A_1060, %add3A_1062 : vector<16xf32>
    %swap3A_1064 = arith.constant 400 : index
    %swap3A_1065 = tpu.vector_load %arg9[%swap3A_1064] {strides = array<i32>} : memref<512xf32, #tpu.memory_space<vmem>>, vector<16xf32>,
    tpu.vector_store %arg9[%swap3A_1064], %add3A_1063 {strides = array<i32>} : memref<512xf32, #tpu.memory_space<vmem>>, vector<16xf32>,
    %get3A_1066 = arith.constant 416 : index
    %get3A_1067 = tpu.vector_load %arg6[%get3A_1066] {strides = array<i32>} : memref<512xi32, #tpu.memory_space<vmem>>, vector<16xi32>,
    %get3A_1068 = arith.constant 416 : index
    %get3A_1069 = tpu.vector_load %arg7[%get3A_1068] {strides = array<i32>} : memref<512xi32, #tpu.memory_space<vmem>>, vector<16xi32>,
    %ge3A_1070 = arith.constant 0 : i32
    %ge3A_1071 = vector.broadcast %ge3A_1070 : i32 to vector<16xi32>
    %ge3A_1072 = arith.cmpi sge, %get3A_1067, %ge3A_1071 : vector<16xi32>
    %lt3A_1073 = arith.constant 1000 : i32
    %lt3A_1074 = vector.broadcast %lt3A_1073 : i32 to vector<16xi32>
    %lt3A_1075 = arith.cmpi slt, %get3A_1067, %lt3A_1074 : vector<16xi32>
    %and3A_1076 = arith.andi %ge3A_1072, %lt3A_1075 : vector<16xi1>
    %add3A_1077 = arith.constant 1 : i32
    %add3A_1078 = vector.broadcast %add3A_1077 : i32 to vector<16xi32>
    %add3A_1079 = arith.addi %get3A_1067, %add3A_1078 : vector<16xi32>
    %jit3A_1080 = arith.constant 0 : i32
    %broadcast_in_dim3A_1081 = vector.broadcast %jit3A_1080 : i32 to vector<16xi32>
    %select_n3A_1082 = arith.select %and3A_1076, %add3A_1079, %broadcast_in_dim3A_1081 : vector<16xi1>, vector<16xi32>
    %ge3A_1083 = arith.constant 0 : i32
    %ge3A_1084 = vector.broadcast %ge3A_1083 : i32 to vector<16xi32>
    %ge3A_1085 = arith.cmpi sge, %get3A_1069, %ge3A_1084 : vector<16xi32>
    %lt3A_1086 = arith.constant 1000 : i32
    %lt3A_1087 = vector.broadcast %lt3A_1086 : i32 to vector<16xi32>
    %lt3A_1088 = arith.cmpi slt, %get3A_1069, %lt3A_1087 : vector<16xi32>
    %and3A_1089 = arith.andi %ge3A_1085, %lt3A_1088 : vector<16xi1>
    %add3A_1090 = arith.constant 1 : i32
    %add3A_1091 = vector.broadcast %add3A_1090 : i32 to vector<16xi32>
    %add3A_1092 = arith.addi %get3A_1069, %add3A_1091 : vector<16xi32>
    %jit3A_1093 = arith.constant 0 : i32
    %broadcast_in_dim3A_1094 = vector.broadcast %jit3A_1093 : i32 to vector<16xi32>
    %select_n3A_1095 = arith.select %and3A_1089, %add3A_1092, %broadcast_in_dim3A_1094 : vector<16xi1>, vector<16xi32>
    %gather3A_1096 = tpu.vector_load_idx %arg8[%select_n3A_1082] : memref<2016xf32, #tpu.memory_space<vmem>>[vector<16xi32>], vector<16xf32>,
    %add3A_1097 = arith.constant 1008 : i32
    %add3A_1098 = vector.broadcast %add3A_1097 : i32 to vector<16xi32>
    %add3A_1099 = arith.addi %select_n3A_1095, %add3A_1098 : vector<16xi32>
    %gather3A_1100 = tpu.vector_load_idx %arg8[%add3A_1099] : memref<2016xf32, #tpu.memory_space<vmem>>[vector<16xi32>], vector<16xf32>,
    %add3A_1101 = arith.addf %gather3A_1096, %gather3A_1100 : vector<16xf32>
    %add3A_1102 = arith.constant 3.500000e+00 : f32
    %add3A_1103 = vector.broadcast %add3A_1102 : f32 to vector<16xf32>
    %add3A_1104 = arith.addf %add3A_1101, %add3A_1103 : vector<16xf32>
    %swap3A_1105 = arith.constant 416 : index
    %swap3A_1106 = tpu.vector_load %arg9[%swap3A_1105] {strides = array<i32>} : memref<512xf32, #tpu.memory_space<vmem>>, vector<16xf32>,
    tpu.vector_store %arg9[%swap3A_1105], %add3A_1104 {strides = array<i32>} : memref<512xf32, #tpu.memory_space<vmem>>, vector<16xf32>,
    %get3A_1107 = arith.constant 432 : index
    %get3A_1108 = tpu.vector_load %arg6[%get3A_1107] {strides = array<i32>} : memref<512xi32, #tpu.memory_space<vmem>>, vector<16xi32>,
    %get3A_1109 = arith.constant 432 : index
    %get3A_1110 = tpu.vector_load %arg7[%get3A_1109] {strides = array<i32>} : memref<512xi32, #tpu.memory_space<vmem>>, vector<16xi32>,
    %ge3A_1111 = arith.constant 0 : i32
    %ge3A_1112 = vector.broadcast %ge3A_1111 : i32 to vector<16xi32>
    %ge3A_1113 = arith.cmpi sge, %get3A_1108, %ge3A_1112 : vector<16xi32>
    %lt3A_1114 = arith.constant 1000 : i32
    %lt3A_1115 = vector.broadcast %lt3A_1114 : i32 to vector<16xi32>
    %lt3A_1116 = arith.cmpi slt, %get3A_1108, %lt3A_1115 : vector<16xi32>
    %and3A_1117 = arith.andi %ge3A_1113, %lt3A_1116 : vector<16xi1>
    %add3A_1118 = arith.constant 1 : i32
    %add3A_1119 = vector.broadcast %add3A_1118 : i32 to vector<16xi32>
    %add3A_1120 = arith.addi %get3A_1108, %add3A_1119 : vector<16xi32>
    %jit3A_1121 = arith.constant 0 : i32
    %broadcast_in_dim3A_1122 = vector.broadcast %jit3A_1121 : i32 to vector<16xi32>
    %select_n3A_1123 = arith.select %and3A_1117, %add3A_1120, %broadcast_in_dim3A_1122 : vector<16xi1>, vector<16xi32>
    %ge3A_1124 = arith.constant 0 : i32
    %ge3A_1125 = vector.broadcast %ge3A_1124 : i32 to vector<16xi32>
    %ge3A_1126 = arith.cmpi sge, %get3A_1110, %ge3A_1125 : vector<16xi32>
    %lt3A_1127 = arith.constant 1000 : i32
    %lt3A_1128 = vector.broadcast %lt3A_1127 : i32 to vector<16xi32>
    %lt3A_1129 = arith.cmpi slt, %get3A_1110, %lt3A_1128 : vector<16xi32>
    %and3A_1130 = arith.andi %ge3A_1126, %lt3A_1129 : vector<16xi1>
    %add3A_1131 = arith.constant 1 : i32
    %add3A_1132 = vector.broadcast %add3A_1131 : i32 to vector<16xi32>
    %add3A_1133 = arith.addi %get3A_1110, %add3A_1132 : vector<16xi32>
    %jit3A_1134 = arith.constant 0 : i32
    %broadcast_in_dim3A_1135 = vector.broadcast %jit3A_1134 : i32 to vector<16xi32>
    %select_n3A_1136 = arith.select %and3A_1130, %add3A_1133, %broadcast_in_dim3A_1135 : vector<16xi1>, vector<16xi32>
    %gather3A_1137 = tpu.vector_load_idx %arg8[%select_n3A_1123] : memref<2016xf32, #tpu.memory_space<vmem>>[vector<16xi32>], vector<16xf32>,
    %add3A_1138 = arith.constant 1008 : i32
    %add3A_1139 = vector.broadcast %add3A_1138 : i32 to vector<16xi32>
    %add3A_1140 = arith.addi %select_n3A_1136, %add3A_1139 : vector<16xi32>
    %gather3A_1141 = tpu.vector_load_idx %arg8[%add3A_1140] : memref<2016xf32, #tpu.memory_space<vmem>>[vector<16xi32>], vector<16xf32>,
    %add3A_1142 = arith.addf %gather3A_1137, %gather3A_1141 : vector<16xf32>
    %add3A_1143 = arith.constant 3.500000e+00 : f32
    %add3A_1144 = vector.broadcast %add3A_1143 : f32 to vector<16xf32>
    %add3A_1145 = arith.addf %add3A_1142, %add3A_1144 : vector<16xf32>
    %swap3A_1146 = arith.constant 432 : index
    %swap3A_1147 = tpu.vector_load %arg9[%swap3A_1146] {strides = array<i32>} : memref<512xf32, #tpu.memory_space<vmem>>, vector<16xf32>,
    tpu.vector_store %arg9[%swap3A_1146], %add3A_1145 {strides = array<i32>} : memref<512xf32, #tpu.memory_space<vmem>>, vector<16xf32>,
    %get3A_1148 = arith.constant 448 : index
    %get3A_1149 = tpu.vector_load %arg6[%get3A_1148] {strides = array<i32>} : memref<512xi32, #tpu.memory_space<vmem>>, vector<16xi32>,
    %get3A_1150 = arith.constant 448 : index
    %get3A_1151 = tpu.vector_load %arg7[%get3A_1150] {strides = array<i32>} : memref<512xi32, #tpu.memory_space<vmem>>, vector<16xi32>,
    %ge3A_1152 = arith.constant 0 : i32
    %ge3A_1153 = vector.broadcast %ge3A_1152 : i32 to vector<16xi32>
    %ge3A_1154 = arith.cmpi sge, %get3A_1149, %ge3A_1153 : vector<16xi32>
    %lt3A_1155 = arith.constant 1000 : i32
    %lt3A_1156 = vector.broadcast %lt3A_1155 : i32 to vector<16xi32>
    %lt3A_1157 = arith.cmpi slt, %get3A_1149, %lt3A_1156 : vector<16xi32>
    %and3A_1158 = arith.andi %ge3A_1154, %lt3A_1157 : vector<16xi1>
    %add3A_1159 = arith.constant 1 : i32
    %add3A_1160 = vector.broadcast %add3A_1159 : i32 to vector<16xi32>
    %add3A_1161 = arith.addi %get3A_1149, %add3A_1160 : vector<16xi32>
    %jit3A_1162 = arith.constant 0 : i32
    %broadcast_in_dim3A_1163 = vector.broadcast %jit3A_1162 : i32 to vector<16xi32>
    %select_n3A_1164 = arith.select %and3A_1158, %add3A_1161, %broadcast_in_dim3A_1163 : vector<16xi1>, vector<16xi32>
    %ge3A_1165 = arith.constant 0 : i32
    %ge3A_1166 = vector.broadcast %ge3A_1165 : i32 to vector<16xi32>
    %ge3A_1167 = arith.cmpi sge, %get3A_1151, %ge3A_1166 : vector<16xi32>
    %lt3A_1168 = arith.constant 1000 : i32
    %lt3A_1169 = vector.broadcast %lt3A_1168 : i32 to vector<16xi32>
    %lt3A_1170 = arith.cmpi slt, %get3A_1151, %lt3A_1169 : vector<16xi32>
    %and3A_1171 = arith.andi %ge3A_1167, %lt3A_1170 : vector<16xi1>
    %add3A_1172 = arith.constant 1 : i32
    %add3A_1173 = vector.broadcast %add3A_1172 : i32 to vector<16xi32>
    %add3A_1174 = arith.addi %get3A_1151, %add3A_1173 : vector<16xi32>
    %jit3A_1175 = arith.constant 0 : i32
    %broadcast_in_dim3A_1176 = vector.broadcast %jit3A_1175 : i32 to vector<16xi32>
    %select_n3A_1177 = arith.select %and3A_1171, %add3A_1174, %broadcast_in_dim3A_1176 : vector<16xi1>, vector<16xi32>
    %gather3A_1178 = tpu.vector_load_idx %arg8[%select_n3A_1164] : memref<2016xf32, #tpu.memory_space<vmem>>[vector<16xi32>], vector<16xf32>,
    %add3A_1179 = arith.constant 1008 : i32
    %add3A_1180 = vector.broadcast %add3A_1179 : i32 to vector<16xi32>
    %add3A_1181 = arith.addi %select_n3A_1177, %add3A_1180 : vector<16xi32>
    %gather3A_1182 = tpu.vector_load_idx %arg8[%add3A_1181] : memref<2016xf32, #tpu.memory_space<vmem>>[vector<16xi32>], vector<16xf32>,
    %add3A_1183 = arith.addf %gather3A_1178, %gather3A_1182 : vector<16xf32>
    %add3A_1184 = arith.constant 3.500000e+00 : f32
    %add3A_1185 = vector.broadcast %add3A_1184 : f32 to vector<16xf32>
    %add3A_1186 = arith.addf %add3A_1183, %add3A_1185 : vector<16xf32>
    %swap3A_1187 = arith.constant 448 : index
    %swap3A_1188 = tpu.vector_load %arg9[%swap3A_1187] {strides = array<i32>} : memref<512xf32, #tpu.memory_space<vmem>>, vector<16xf32>,
    tpu.vector_store %arg9[%swap3A_1187], %add3A_1186 {strides = array<i32>} : memref<512xf32, #tpu.memory_space<vmem>>, vector<16xf32>,
    %get3A_1189 = arith.constant 464 : index
    %get3A_1190 = tpu.vector_load %arg6[%get3A_1189] {strides = array<i32>} : memref<512xi32, #tpu.memory_space<vmem>>, vector<16xi32>,
    %get3A_1191 = arith.constant 464 : index
    %get3A_1192 = tpu.vector_load %arg7[%get3A_1191] {strides = array<i32>} : memref<512xi32, #tpu.memory_space<vmem>>, vector<16xi32>,
    %ge3A_1193 = arith.constant 0 : i32
    %ge3A_1194 = vector.broadcast %ge3A_1193 : i32 to vector<16xi32>
    %ge3A_1195 = arith.cmpi sge, %get3A_1190, %ge3A_1194 : vector<16xi32>
    %lt3A_1196 = arith.constant 1000 : i32
    %lt3A_1197 = vector.broadcast %lt3A_1196 : i32 to vector<16xi32>
    %lt3A_1198 = arith.cmpi slt, %get3A_1190, %lt3A_1197 : vector<16xi32>
    %and3A_1199 = arith.andi %ge3A_1195, %lt3A_1198 : vector<16xi1>
    %add3A_1200 = arith.constant 1 : i32
    %add3A_1201 = vector.broadcast %add3A_1200 : i32 to vector<16xi32>
    %add3A_1202 = arith.addi %get3A_1190, %add3A_1201 : vector<16xi32>
    %jit3A_1203 = arith.constant 0 : i32
    %broadcast_in_dim3A_1204 = vector.broadcast %jit3A_1203 : i32 to vector<16xi32>
    %select_n3A_1205 = arith.select %and3A_1199, %add3A_1202, %broadcast_in_dim3A_1204 : vector<16xi1>, vector<16xi32>
    %ge3A_1206 = arith.constant 0 : i32
    %ge3A_1207 = vector.broadcast %ge3A_1206 : i32 to vector<16xi32>
    %ge3A_1208 = arith.cmpi sge, %get3A_1192, %ge3A_1207 : vector<16xi32>
    %lt3A_1209 = arith.constant 1000 : i32
    %lt3A_1210 = vector.broadcast %lt3A_1209 : i32 to vector<16xi32>
    %lt3A_1211 = arith.cmpi slt, %get3A_1192, %lt3A_1210 : vector<16xi32>
    %and3A_1212 = arith.andi %ge3A_1208, %lt3A_1211 : vector<16xi1>
    %add3A_1213 = arith.constant 1 : i32
    %add3A_1214 = vector.broadcast %add3A_1213 : i32 to vector<16xi32>
    %add3A_1215 = arith.addi %get3A_1192, %add3A_1214 : vector<16xi32>
    %jit3A_1216 = arith.constant 0 : i32
    %broadcast_in_dim3A_1217 = vector.broadcast %jit3A_1216 : i32 to vector<16xi32>
    %select_n3A_1218 = arith.select %and3A_1212, %add3A_1215, %broadcast_in_dim3A_1217 : vector<16xi1>, vector<16xi32>
    %gather3A_1219 = tpu.vector_load_idx %arg8[%select_n3A_1205] : memref<2016xf32, #tpu.memory_space<vmem>>[vector<16xi32>], vector<16xf32>,
    %add3A_1220 = arith.constant 1008 : i32
    %add3A_1221 = vector.broadcast %add3A_1220 : i32 to vector<16xi32>
    %add3A_1222 = arith.addi %select_n3A_1218, %add3A_1221 : vector<16xi32>
    %gather3A_1223 = tpu.vector_load_idx %arg8[%add3A_1222] : memref<2016xf32, #tpu.memory_space<vmem>>[vector<16xi32>], vector<16xf32>,
    %add3A_1224 = arith.addf %gather3A_1219, %gather3A_1223 : vector<16xf32>
    %add3A_1225 = arith.constant 3.500000e+00 : f32
    %add3A_1226 = vector.broadcast %add3A_1225 : f32 to vector<16xf32>
    %add3A_1227 = arith.addf %add3A_1224, %add3A_1226 : vector<16xf32>
    %swap3A_1228 = arith.constant 464 : index
    %swap3A_1229 = tpu.vector_load %arg9[%swap3A_1228] {strides = array<i32>} : memref<512xf32, #tpu.memory_space<vmem>>, vector<16xf32>,
    tpu.vector_store %arg9[%swap3A_1228], %add3A_1227 {strides = array<i32>} : memref<512xf32, #tpu.memory_space<vmem>>, vector<16xf32>,
    %get3A_1230 = arith.constant 480 : index
    %get3A_1231 = tpu.vector_load %arg6[%get3A_1230] {strides = array<i32>} : memref<512xi32, #tpu.memory_space<vmem>>, vector<16xi32>,
    %get3A_1232 = arith.constant 480 : index
    %get3A_1233 = tpu.vector_load %arg7[%get3A_1232] {strides = array<i32>} : memref<512xi32, #tpu.memory_space<vmem>>, vector<16xi32>,
    %ge3A_1234 = arith.constant 0 : i32
    %ge3A_1235 = vector.broadcast %ge3A_1234 : i32 to vector<16xi32>
    %ge3A_1236 = arith.cmpi sge, %get3A_1231, %ge3A_1235 : vector<16xi32>
    %lt3A_1237 = arith.constant 1000 : i32
    %lt3A_1238 = vector.broadcast %lt3A_1237 : i32 to vector<16xi32>
    %lt3A_1239 = arith.cmpi slt, %get3A_1231, %lt3A_1238 : vector<16xi32>
    %and3A_1240 = arith.andi %ge3A_1236, %lt3A_1239 : vector<16xi1>
    %add3A_1241 = arith.constant 1 : i32
    %add3A_1242 = vector.broadcast %add3A_1241 : i32 to vector<16xi32>
    %add3A_1243 = arith.addi %get3A_1231, %add3A_1242 : vector<16xi32>
    %jit3A_1244 = arith.constant 0 : i32
    %broadcast_in_dim3A_1245 = vector.broadcast %jit3A_1244 : i32 to vector<16xi32>
    %select_n3A_1246 = arith.select %and3A_1240, %add3A_1243, %broadcast_in_dim3A_1245 : vector<16xi1>, vector<16xi32>
    %ge3A_1247 = arith.constant 0 : i32
    %ge3A_1248 = vector.broadcast %ge3A_1247 : i32 to vector<16xi32>
    %ge3A_1249 = arith.cmpi sge, %get3A_1233, %ge3A_1248 : vector<16xi32>
    %lt3A_1250 = arith.constant 1000 : i32
    %lt3A_1251 = vector.broadcast %lt3A_1250 : i32 to vector<16xi32>
    %lt3A_1252 = arith.cmpi slt, %get3A_1233, %lt3A_1251 : vector<16xi32>
    %and3A_1253 = arith.andi %ge3A_1249, %lt3A_1252 : vector<16xi1>
    %add3A_1254 = arith.constant 1 : i32
    %add3A_1255 = vector.broadcast %add3A_1254 : i32 to vector<16xi32>
    %add3A_1256 = arith.addi %get3A_1233, %add3A_1255 : vector<16xi32>
    %jit3A_1257 = arith.constant 0 : i32
    %broadcast_in_dim3A_1258 = vector.broadcast %jit3A_1257 : i32 to vector<16xi32>
    %select_n3A_1259 = arith.select %and3A_1253, %add3A_1256, %broadcast_in_dim3A_1258 : vector<16xi1>, vector<16xi32>
    %gather3A_1260 = tpu.vector_load_idx %arg8[%select_n3A_1246] : memref<2016xf32, #tpu.memory_space<vmem>>[vector<16xi32>], vector<16xf32>,
    %add3A_1261 = arith.constant 1008 : i32
    %add3A_1262 = vector.broadcast %add3A_1261 : i32 to vector<16xi32>
    %add3A_1263 = arith.addi %select_n3A_1259, %add3A_1262 : vector<16xi32>
    %gather3A_1264 = tpu.vector_load_idx %arg8[%add3A_1263] : memref<2016xf32, #tpu.memory_space<vmem>>[vector<16xi32>], vector<16xf32>,
    %add3A_1265 = arith.addf %gather3A_1260, %gather3A_1264 : vector<16xf32>
    %add3A_1266 = arith.constant 3.500000e+00 : f32
    %add3A_1267 = vector.broadcast %add3A_1266 : f32 to vector<16xf32>
    %add3A_1268 = arith.addf %add3A_1265, %add3A_1267 : vector<16xf32>
    %swap3A_1269 = arith.constant 480 : index
    %swap3A_1270 = tpu.vector_load %arg9[%swap3A_1269] {strides = array<i32>} : memref<512xf32, #tpu.memory_space<vmem>>, vector<16xf32>,
    tpu.vector_store %arg9[%swap3A_1269], %add3A_1268 {strides = array<i32>} : memref<512xf32, #tpu.memory_space<vmem>>, vector<16xf32>,
    %get3A_1271 = arith.constant 496 : index
    %get3A_1272 = tpu.vector_load %arg6[%get3A_1271] {strides = array<i32>} : memref<512xi32, #tpu.memory_space<vmem>>, vector<16xi32>,
    %get3A_1273 = arith.constant 496 : index
    %get3A_1274 = tpu.vector_load %arg7[%get3A_1273] {strides = array<i32>} : memref<512xi32, #tpu.memory_space<vmem>>, vector<16xi32>,
    %ge3A_1275 = arith.constant 0 : i32
    %ge3A_1276 = vector.broadcast %ge3A_1275 : i32 to vector<16xi32>
    %ge3A_1277 = arith.cmpi sge, %get3A_1272, %ge3A_1276 : vector<16xi32>
    %lt3A_1278 = arith.constant 1000 : i32
    %lt3A_1279 = vector.broadcast %lt3A_1278 : i32 to vector<16xi32>
    %lt3A_1280 = arith.cmpi slt, %get3A_1272, %lt3A_1279 : vector<16xi32>
    %and3A_1281 = arith.andi %ge3A_1277, %lt3A_1280 : vector<16xi1>
    %add3A_1282 = arith.constant 1 : i32
    %add3A_1283 = vector.broadcast %add3A_1282 : i32 to vector<16xi32>
    %add3A_1284 = arith.addi %get3A_1272, %add3A_1283 : vector<16xi32>
    %jit3A_1285 = arith.constant 0 : i32
    %broadcast_in_dim3A_1286 = vector.broadcast %jit3A_1285 : i32 to vector<16xi32>
    %select_n3A_1287 = arith.select %and3A_1281, %add3A_1284, %broadcast_in_dim3A_1286 : vector<16xi1>, vector<16xi32>
    %ge3A_1288 = arith.constant 0 : i32
    %ge3A_1289 = vector.broadcast %ge3A_1288 : i32 to vector<16xi32>
    %ge3A_1290 = arith.cmpi sge, %get3A_1274, %ge3A_1289 : vector<16xi32>
    %lt3A_1291 = arith.constant 1000 : i32
    %lt3A_1292 = vector.broadcast %lt3A_1291 : i32 to vector<16xi32>
    %lt3A_1293 = arith.cmpi slt, %get3A_1274, %lt3A_1292 : vector<16xi32>
    %and3A_1294 = arith.andi %ge3A_1290, %lt3A_1293 : vector<16xi1>
    %add3A_1295 = arith.constant 1 : i32
    %add3A_1296 = vector.broadcast %add3A_1295 : i32 to vector<16xi32>
    %add3A_1297 = arith.addi %get3A_1274, %add3A_1296 : vector<16xi32>
    %jit3A_1298 = arith.constant 0 : i32
    %broadcast_in_dim3A_1299 = vector.broadcast %jit3A_1298 : i32 to vector<16xi32>
    %select_n3A_1300 = arith.select %and3A_1294, %add3A_1297, %broadcast_in_dim3A_1299 : vector<16xi1>, vector<16xi32>
    %gather3A_1301 = tpu.vector_load_idx %arg8[%select_n3A_1287] : memref<2016xf32, #tpu.memory_space<vmem>>[vector<16xi32>], vector<16xf32>,
    %add3A_1302 = arith.constant 1008 : i32
    %add3A_1303 = vector.broadcast %add3A_1302 : i32 to vector<16xi32>
    %add3A_1304 = arith.addi %select_n3A_1300, %add3A_1303 : vector<16xi32>
    %gather3A_1305 = tpu.vector_load_idx %arg8[%add3A_1304] : memref<2016xf32, #tpu.memory_space<vmem>>[vector<16xi32>], vector<16xf32>,
    %add3A_1306 = arith.addf %gather3A_1301, %gather3A_1305 : vector<16xf32>
    %add3A_1307 = arith.constant 3.500000e+00 : f32
    %add3A_1308 = vector.broadcast %add3A_1307 : f32 to vector<16xf32>
    %add3A_1309 = arith.addf %add3A_1306, %add3A_1308 : vector<16xf32>
    %swap3A_1310 = arith.constant 496 : index
    %swap3A_1311 = tpu.vector_load %arg9[%swap3A_1310] {strides = array<i32>} : memref<512xf32, #tpu.memory_space<vmem>>, vector<16xf32>,
    tpu.vector_store %arg9[%swap3A_1310], %add3A_1309 {strides = array<i32>} : memref<512xf32, #tpu.memory_space<vmem>>, vector<16xf32>,
    "tpu.region"() ({
      %run_scoped3A = tpu.sem_alloc : memref<!tpu.dma_semaphore, #tpu.memory_space<semaphore_mem>>
      %dma_start3A_1312 = tpu.memref_slice %arg5[%mul3A_2] : memref<16384xf32, #tpu.memory_space<hbm>> -> memref<512xf32, #tpu.memory_space<hbm>>
      %dma_start3A_1313 = tpu.memref_slice %arg5[%mul3A_2] : memref<16384xf32, #tpu.memory_space<hbm>> -> memref<512xf32, #tpu.memory_space<hbm>>
      tpu.enqueue_dma source(%arg9 : memref<512xf32, #tpu.memory_space<vmem>>) target(%dma_start3A_1313 : memref<512xf32, #tpu.memory_space<hbm>>) target_semaphore(%run_scoped3A : memref<!tpu.dma_semaphore, #tpu.memory_space<semaphore_mem>>)
      %dma_wait3A_1314 = tpu.memref_slice %arg5[%mul3A_2] : memref<16384xf32, #tpu.memory_space<hbm>> -> memref<512xf32, #tpu.memory_space<hbm>>
      %dma_wait3A_1315 = tpu.memref_slice %arg5[%mul3A_2] : memref<16384xf32, #tpu.memory_space<hbm>> -> memref<512xf32, #tpu.memory_space<hbm>>
      tpu.wait_dma2 semaphore(%run_scoped3A : memref<!tpu.dma_semaphore, #tpu.memory_space<semaphore_mem>>) src(%arg9 : memref<512xf32, #tpu.memory_space<vmem>>) dst(%dma_wait3A_1315 : memref<512xf32, #tpu.memory_space<hbm>>)
      tpu.yield
    }) : () -> ()
    return
  }
}

</mosaic_0001>

<sc_bundles>
// kernel: kernel.3.cloned.1.call-start
scs
__scs_entry_jumppad:
0x0: {  	(pc) =	sbr.rel $0x88, $3  }
0x1: {  	(tag) =	ssettag $0x0;
	lr =	simm.s32 $0x1  }
0x2: {  	[smem:$0x3F9D] =	sst lr;
	_ =	strace $0xD0000000  }
0x3: {  	_ = 	snop  }
0x4: {  	_ = 	snop  }
0x5: {  	_ = 	snop  }
0x6: {  	_ = 	snop  }
0x7: {  	_ = 	snop  }
__scs_overlays_trampoline_lowered:
0x8: {  	[smem:$0x3FAC] =	sst s0  }
0x9: {  	[smem:$0x3FAD] =	sst s1  }
0xa: {  	[smem:$0x3FAE] =	sst s2  }
0xb: {  	[smem:$0x3FAF] =	sst s3  }
0xc: {  	[smem:$0x3FB0] =	sst s4  }
0xd: {  	[smem:$0x3FB1] =	sst s5  }
0xe: {  	[smem:$0x3FB2] =	sst s6  }
0xf: {  	[smem:$0x3FB3] =	sst s7  }
0x10: {  	[smem:$0x3FB4] =	sst s8  }
0x11: {  	[smem:$0x3FB5] =	sst s9;
	s0 =	simm.s32 @!p0 $0x0  }
0x12: {  	s1 =	sld [smem:$0x3F9B];
	s0 =	simm.s32 @p0 $0x1  }
0x13: {  	[smem:$0x3FB6] =	sst s0;
	s0 =	simm.s32 @!p1 $0x0  }
0x14: {  	s2 =	sld [smem:$0x3F9A];
	s0 =	simm.s32 @p1 $0x1  }
0x15: {  	[smem:$0x3FB7] =	sst s0;
	s0 =	simm.s32 @!p2 $0x0  }
0x16: {  	s3 =	sld [smem:$0x3FDB];
	s0 =	simm.s32 @p2 $0x1  }
0x17: {  	s4 =	simm.s32 $0x1BF5;
	[smem:$0x3FB9] =	sst s0  }
0x18: {  	s0 =	sld [smem:$0x3F9C];
	_ =	swait.ge [sflag:s4], $0x0  }
0x19: {  	s7 =	sld [smem:$0x3F9D]  }
0x1a: {  	s8 =	sadd.s32 $0xFFFFE003, lr  }
0x1b: {  	s9 =	sadd.s32 $0xFFFFFEF7, lr;
	s5 =	simm.s32 $0xFFFFFFFF;
	p2 =	slt.u32 s8, $0xFFFFF086  }
0x1c: {  	p1 =	slt.u32 s9, $0xF7A;
	s5 =	simm.s32 @!p2 $0x0  }
0x1d: {  	s5 =	simm.s32 @p1 $0x1;
	p0 =	seq.s32 s7, s2  }
0x1e: {  	s7 =	smul.u32 @!p0 $0xF7A, s2;
	p2 =	seq.s32 @!p0 s5, $0x0  }
0x1f: {  	s9 =	smul.u32 $0xF7A, s1;
	s8 =	simm.s32 @!p0 $0x1BF5;
	p2 =	por !p2, p0  }
0x20: {  	[sflag:s8] =	ssyncset.s32 @!p0 $0xFFFFF086;
	s6 =	sadd.s32 @!p0 s3, s7;
	s7 =	simm.s32 @!p0 $0x108  }
0x21: {  	s3 =	sadd.s32 s3, s9;
	s6 =	sadd.s32 @!p0 $0x88, s6;
	s7 =	simm.s32 @p2 $0x1082  }
0x22: {  	[simem:s7], [sflag:s8] =	dma.local @!p0 [hbm:s6], $0xF7A  }
0x23: {  	s9 =	sor.u32 $0xD0000000, s2;
	s6 =	simm.s32 $0x108;
	_ =	swait.ge @!p0 [sflag:s8], $0x0  }
0x24: {  	s3 =	sadd.s32 $0x88, s3;
	s6 =	simm.s32 @!p1 $0x1082;
	[sflag:s4] =	ssyncset.s32 $0xFFFFF086  }
0x25: {  	[simem:s6], [sflag:s4] =	dma.local [hbm:s3], $0xF7A  }
0x26: {  	[smem:$0x3F9D] =	sst s1;
	(tag) =	ssettag s2;
	_ =	strace s9  }
0x27: {  	s1 =	sld [smem:$0x3FAD]  }
0x28: {  	s2 =	sld [smem:$0x3FAE]  }
0x29: {  	s4 =	sld [smem:$0x3FB0]  }
0x2a: {  	p0 =	seq.s32 s5, $0x0;
	s5 =	sld [smem:$0x3FB1]  }
0x2b: {  	s6 =	sld [smem:$0x3FB2]  }
0x2c: {  	s7 =	sld [smem:$0x3FB3]  }
0x2d: {  	s3 =	simm.s32 $0x108;
	s8 =	sld [smem:$0x3FB4]  }
0x2e: {  	s3 =	simm.s32 @!p0 $0x1082;
	s9 =	sld [smem:$0x3FB5]  }
0x2f: {  	lr =	sadd.s32 s0, s3;
	s0 =	sld [smem:$0x3FAC]  }
0x30: {  	s3 =	sld [smem:$0x3FAF]  }
0x31: {  	[smem:$0x3FB8] =	sst s10  }
0x32: {  	s10 =	sld [smem:$0x3FB6];
	_ =	sdelay $0x3  }
0x33: {  	p0 =	seq.s32 s10, $0x1;
	s10 =	sld [smem:$0x3FB8];
	_ =	sdelay $0x3  }
0x34: {  	[smem:$0x3FB8] =	sst s10  }
0x35: {  	s10 =	sld [smem:$0x3FB7];
	_ =	sdelay $0x3  }
0x36: {  	p1 =	seq.s32 s10, $0x1;
	s10 =	sld [smem:$0x3FB8];
	_ =	sdelay $0x3  }
0x37: {  	[smem:$0x3FB8] =	sst s10  }
0x38: {  	s10 =	sld [smem:$0x3FB9]  }
0x39: {  	_ = 	snop;
	(pc) =	sbr.ind lr, $3  }
0x3a: {  	_ = 	snop  }
0x3b: {  	_ = 	snop  }
0x3c: {  	p2 =	seq.s32 s10, $0x1;
	s10 =	sld [smem:$0x3FB8]  }
0x3d: {  	_ =	shalt  }
0x3e: {  	_ =	shalt  }
0x3f: {  	_ =	shalt  }
0x40: {  	_ =	shalt  }
0x41: {  	_ =	shalt  }
0x42: {  	_ =	shalt  }
0x43: {  	_ =	shalt  }
0x44: {  	_ =	shalt  }
0x45: {  	_ =	shalt  }
0x46: {  	_ =	shalt  }
0x47: {  	_ =	shalt  }
0x48: {  	_ =	shalt  }
0x49: {  	_ =	shalt  }
0x4a: {  	_ =	shalt  }
0x4b: {  	_ =	shalt  }
0x4c: {  	_ =	shalt  }
0x4d: {  	_ =	shalt  }
0x4e: {  	_ =	shalt  }
0x4f: {  	_ =	shalt  }
0x50: {  	_ =	shalt  }
0x51: {  	_ =	shalt  }
0x52: {  	_ =	shalt  }
0x53: {  	_ =	shalt  }
0x54: {  	_ =	shalt  }
0x55: {  	_ =	shalt  }
0x56: {  	_ =	shalt  }
0x57: {  	_ =	shalt  }
0x58: {  	_ =	shalt  }
0x59: {  	_ =	shalt  }
0x5a: {  	_ =	shalt  }
0x5b: {  	_ =	shalt  }
0x5c: {  	_ =	shalt  }
0x5d: {  	_ =	shalt  }
0x5e: {  	_ =	shalt  }
0x5f: {  	_ =	shalt  }
0x60: {  	_ =	shalt  }
0x61: {  	_ =	shalt  }
0x62: {  	_ =	shalt  }
0x63: {  	_ =	shalt  }
0x64: {  	_ =	shalt  }
0x65: {  	_ =	shalt  }
0x66: {  	_ =	shalt  }
0x67: {  	_ =	shalt  }
0x68: {  	_ =	shalt  }
0x69: {  	_ =	shalt  }
0x6a: {  	_ =	shalt  }
0x6b: {  	_ =	shalt  }
0x6c: {  	_ =	shalt  }
0x6d: {  	_ =	shalt  }
0x6e: {  	_ =	shalt  }
0x6f: {  	_ =	shalt  }
0x70: {  	_ =	shalt  }
0x71: {  	_ =	shalt  }
0x72: {  	_ =	shalt  }
0x73: {  	_ =	shalt  }
0x74: {  	_ =	shalt  }
0x75: {  	_ =	shalt  }
0x76: {  	_ =	shalt  }
0x77: {  	_ =	shalt  }
0x78: {  	_ =	shalt  }
0x79: {  	_ =	shalt  }
0x7a: {  	_ =	shalt  }
0x7b: {  	_ =	shalt  }
0x7c: {  	_ =	shalt  }
0x7d: {  	_ =	shalt  }
0x7e: {  	_ =	shalt  }
0x7f: {  	_ =	shalt  }
0x80: {  	_ =	shalt  }
0x81: {  	_ =	shalt  }
0x82: {  	_ =	shalt  }
0x83: {  	_ =	shalt  }
0x84: {  	_ =	shalt  }
0x85: {  	_ =	shalt  }
0x86: {  	_ =	shalt  }
0x87: {  	_ =	shalt  }
.Lfunc_end0:
.L_simem_size_0:
called_computation_lowered:
.L_overlay_start_0:
0x88: {  	s2 =	sld [smem:$0x3FD9]  }
0x89: {  	s3 =	sld [smem:$0x3FFE];
	_ =	sdelay $0x1  }
0x8a: {  	s1 =	srdreg.scid  }
0x8b: {  	s0 =	sand.u32 $0x1, s1  }
0x8c: {  	s17 =	sshll.u32 s0, $0xA;
	s2 =	sadd.s32 s3, s2  }
0x8d: {  	s2 =	sadd.s32 s2, s17  }
0x8e: {  	[smem:$0x3FC4] =	sst s2  }
0x8f: {  	_ = 	snop  }
0x90: {  	s2 =	sld [smem:$0x3FC9]  }
0x91: {  	s18 =	sld [smem:$0x3FC8]  }
0x92: {  	s4 =	sld [smem:$0x3FD0];
	(tm) =	ssettm $0x1  }
0x93: {  	s5 =	sld [smem:$0x3FFB];
	_ =	sdelay $0x3  }
0x94: {  	_ =	strace s5  }
0x95: {  	s5 =	sld [smem:$0x3FFC];
	_ =	sdelay $0x3  }
0x96: {  	_ =	strace s5  }
0x97: {  	s5 =	sld [smem:$0x3FFD];
	_ =	sdelay $0x3  }
0x98: {  	_ =	strace s5  }
0x99: {  	_ =	strace $0x8FFFFFFF  }
0x9a: {  	s19 =	sld [smem:$0x3FDB];
	_ =	sdelay $0x1  }
0x9b: {  	s6 =	simm.s32 $_scs_section_size  }
0x9c: {  	s7 =	simm.s32 $_size__tile_overlayer_lowered;
	s8 =	simm.s32 $_tile_overlayer_lowered  }
0x9d: {  	s22 =	simm.s32 $0x1BFF;
	s21 =	sshll.u32 s8, $0x1;
	s5 =	sadd.s32 s6, s19  }
0x9e: {  	s9 =	simm.s32 $0x0;
	s20 =	sshll.u32 s7, $0x1;
	s7 =	sadd.s32 s21, s5  }
0x9f: {  	[timem:s9], [sflag:s22] =	dma.local [hbm:s7], s20  }
0xa0: {  	_ =	swait.ge [sflag:s22], s20  }
0xa1: {  	s6 =	ssub.s32 $0x0, s20;
	[sflag:s22] =	ssyncset.done $0x0  }
0xa2: {  	[sflag:s22] =	ssyncadd.s32 s6;
	_ =	sdelay $0x1  }
0xa3: {  	s23 =	simm.s32 $0x1B8B  }
0xa4: {  	_ =	swait.ge [sflag:s23], $0x1  }
0xa5: {  	[sflag:s23] =	ssyncset.done $0x0  }
0xa6: {  	s25 =	simm.s32 $0x1B8E;
	s24 =	sld [smem:$0x3FFE];
	[sflag:s23] =	ssyncadd.s32 $0xFFFFFFFF  }
0xa7: {  	s26 =	simm.s32 $execute0_lowered;
	[smem:$0x3FD2] =	sst s25  }
0xa8: {  	s7 =	sshll.u32 s26, $0x1;
	_ =	strace $0x80000046;
	[dreg:$0x1] =	wrdreg $0xFFFFFFFF  }
0xa9: {  	s28 =	simm.s32 $_size_execute0_lowered;
	s5 =	sadd.s32 s5, s7;
	[dreg:$0x0] =	wrdreg $0x0  }
0xaa: {  	s7 =	sshll.u32 s28, $0x1;
	[dreg:$0x2] =	wrdreg s5  }
0xab: {  	[dreg:$0x3] =	wrdreg s7  }
0xac: {  	[dreg:$0x4] =	wrdreg $0xC0  }
0xad: {  	_ =	task [dreg:s9], $0x5FFFF  }
0xae: {  	[dreg:$0x1] =	wrdreg $0xFFFFFFFF  }
0xaf: {  	[dreg:$0x0] =	wrdreg $0x60  }
0xb0: {  	[dreg:$0x2] =	wrdreg s2  }
0xb1: {  	[dreg:$0x3] =	wrdreg s18  }
0xb2: {  	[dreg:$0x4] =	wrdreg s24  }
0xb3: {  	[dreg:$0x5] =	wrdreg s4  }
0xb4: {  	[dreg:$0x6] =	wrdreg $0x9  }
0xb5: {  	_ =	task.clear_ibuf [dreg:s9], $0x7FFFF;
	_ =	strace $0x90000046  }
0xb6: {  	s29 =	simm.s32 $0x9;
	_ =	strace $0x80000048  }
0xb7: {  	_ =	swait.ge [sflag:s29], $0x1  }
0xb8: {  	[sflag:s29] =	ssyncadd.s32 $0xFFFFFFFF  }
0xb9: {  	_ =	strace $0x90000048  }
0xba: {  	_ =	sfence  }
0xbb: {  	s30 =	sld [smem:$0x0];
	_ =	sdelay $0x2  }
0xbc: {  	s31 =	sshll.u32 s1, $0xD;
	s1 =	sshrl.u32 s1, $0x2  }
0xbd: {  	s3 =	sand.u32 $0x4000, s31;
	s1 =	sadd.s32 s1, s30  }
0xbe: {  	s0 =	sor.u32 s3, s0;
	s1 =	sshll.u32 s1, $0x11  }
0xbf: {  	s0 =	sor.u32 s1, s0  }
0xc0: {  	s0 =	sadd.s32 $0x8F2B, s0  }
0xc1: {  	[sflag:s0] =	ssyncadd.remote.s32 $0x1  }
0xc2: {  	_ =	sfence.sel $0xFFFF  }
0xc3: {  	[dreg:$0x0] =	wrdreg $0xFFFFFFFF;
	(pc) =	sbr.abs _section_cstart, $3  }
0xc4: {  	[dreg:$0x1] =	wrdreg $0xFFFFFFFF  }
0xc5: {  	_ =	task.clear_ibuf [dreg:s9], $0x2FFFF;
	_ =	strace $0x9FFFFFFF  }
0xc6: {  	(tm) =	ssettm $0x7FFFFFFF  }
0xc7: {  	_ =	shalt  }
tec
execute0_lowered:
.L_overlay_start_1:
0x0: {  	(tag) =	ssettag $0x1  }
0x1: {  	s4 =	rddreg [dreg:$0x0]  }
0x2: {  	s5 =	rddreg [dreg:$0x1]  }
0x3: {  	s3 =	rddreg [dreg:$0x2]  }
0x4: {  	s6 =	rddreg [dreg:$0x3]  }
0x5: {  	s0 =	rddreg [dreg:$0x4];
	s1 =	simm.s32 $0x0  }
0x6: {  	s2 =	srdreg.scid;
	s11 =	simm.s32 $0xC00;
	s12 =	simm.s32 $0x2  }
0x7: {  	[smem:$0x7FF] =	sst s1;
	s7 =	sand.u32 $0x1, s2;
	s2 =	stileid.u32  }
0x8: {  	s3 =	sadd.s32 $0x600, s3;
	_ =	strace $0x80000047;
	s8 =	ssub.s32 $0x2, s7  }
0x9: {  	s10 =	sshll.u32 s2, $0x7;
	s7 =	sshll.u32 s7, $0x6;
	s9 =	sshrl.u32 s8, $0x1  }
0xa: {  	s7 =	sor.u32 s7, s10;
	s10 =	simm.s32 $0x1;
	s8 =	ssub.s32 s8, s9  }
0xb: {  	s4 =	sadd.s32 s4, s7;
	s5 =	sadd.s32 s5, s7;
	s6 =	sadd.s32 s6, s7  }
0xc: {  	s9 =	simm.s32 $0x200;
	s7 =	smax.u32 s8, $0x1;
	s8 =	simm.s32 $0x400  }
.LBB2_1:
0xd: {  	[tilespmem:s8], [sflag:$0x1] =	stream.linear.gather [hbm4b:s3+s1], $0x800, $0x38;
	[tilespmem:$0xE00] =	vst v63  }
0xe: {  	_ = 	snop  }
0xf: {  	[tilespmem:s1], [sflag:$0x1] =	stream.linear.gather [hbm4b:s4+s1], $0x200, $0x38;
	[tilespmem:$0xE00] =	vst v63  }
0x10: {  	_ = 	snop  }
0x11: {  	[tilespmem:s9], [sflag:$0x1] =	stream.linear.gather [hbm4b:s5+s1], $0x200, $0x38;
	[tilespmem:$0xE00] =	vst v63  }
0x12: {  	_ =	swait.ge [sflag:s10], $0x800  }
0x13: {  	[sflag:s10] =	ssyncset.done $0x0  }
0x14: {  	[sflag:s10] =	ssyncadd.s32 $0xFFFFF800  }
0x15: {  	_ =	swait.ge [sflag:s10], $0x200  }
0x16: {  	[sflag:s10] =	ssyncset.done $0x0  }
0x17: {  	[sflag:s10] =	ssyncadd.s32 $0xFFFFFE00  }
0x18: {  	_ =	swait.ge [sflag:s10], $0x200  }
0x19: {  	[sflag:s10] =	ssyncset.done $0x0  }
0x1a: {  	[sflag:s10] =	ssyncadd.s32 $0xFFFFFE00  }
0x1b: {  	v0 =	vld [tilespmem:$0x0]  }
0x1c: {  	v1 =	vld [tilespmem:$0x200];
	_ =	sdelay $0x3  }
0x1d: {  	vm0 =	vlt.u32 v0, $0x3E8;
	v0 =	vadd.s32 $0x1, v0  }
0x1e: {  	vm13 =	vlt.u32 v1, $0x3E8;
	v1 =	vadd.s32 $0x3F1, v1;
	v0 =	vnsel vm0, $0x0, v0  }
0x1f: {  	v1 =	vnsel vm13, $0x3F0, v1;
	_ =	sdelay $0x1  }
0x20: {  	v2 =	vld [tilespmem:$0x10]  }
0x21: {  	v3 =	vld [tilespmem:$0x210]  }
0x22: {  	v0 =	vld.idx.msk [tilespmem:v0+s8+$0x0], $0xffff  }
0x23: {  	v1 =	vld.idx.msk [tilespmem:v1+s8+$0x0], $0xffff;
	_ =	sdelay $0x3  }
0x24: {  	vm14 =	vlt.u32 v2, $0x3E8;
	v29 =	vadd.s32 $0x1, v2;
	vm15 =	vlt.u32 v3, $0x3E8  }
0x25: {  	v30 =	vadd.s32 $0x3F1, v3;
	v0 =	vadd.f32 v1, v0;
	v1 =	vnsel vm14, $0x0, v29  }
0x26: {  	v2 =	vnsel vm15, $0x3F0, v30  }
0x27: {  	v0 =	vadd.f32 $3.500000000e+00, v0  }
0x28: {  	v32 =	vld [tilespmem:$0x20]  }
0x29: {  	v33 =	vld [tilespmem:$0x220];
	[tilespmem:$0xC00] =	vst v0  }
0x2a: {  	v0 =	vld.idx.msk [tilespmem:v1+s8+$0x0], $0xffff  }
0x2b: {  	v31 =	vld.idx.msk [tilespmem:v2+s8+$0x0], $0xffff;
	_ =	sdelay $0x3  }
0x2c: {  	vm4 =	vlt.u32 v32, $0x3E8;
	v34 =	vadd.s32 $0x1, v32;
	vm5 =	vlt.u32 v33, $0x3E8  }
0x2d: {  	v35 =	vadd.s32 $0x3F1, v33;
	v1 =	vnsel vm4, $0x0, v34;
	v0 =	vadd.f32 v31, v0  }
0x2e: {  	v2 =	vnsel vm5, $0x3F0, v35  }
0x2f: {  	v0 =	vadd.f32 $3.500000000e+00, v0  }
0x30: {  	v37 =	vld [tilespmem:$0x30]  }
0x31: {  	v38 =	vld [tilespmem:$0x230];
	[tilespmem:$0xC10] =	vst v0  }
0x32: {  	v0 =	vld.idx.msk [tilespmem:v1+s8+$0x0], $0xffff  }
0x33: {  	v36 =	vld.idx.msk [tilespmem:v2+s8+$0x0], $0xffff;
	_ =	sdelay $0x3  }
0x34: {  	vm6 =	vlt.u32 v37, $0x3E8;
	v39 =	vadd.s32 $0x1, v37;
	vm7 =	vlt.u32 v38, $0x3E8  }
0x35: {  	v40 =	vadd.s32 $0x3F1, v38;
	v1 =	vnsel vm6, $0x0, v39;
	v0 =	vadd.f32 v36, v0  }
0x36: {  	v2 =	vnsel vm7, $0x3F0, v40  }
0x37: {  	v0 =	vadd.f32 $3.500000000e+00, v0  }
0x38: {  	v42 =	vld [tilespmem:$0x40]  }
0x39: {  	v43 =	vld [tilespmem:$0x240];
	[tilespmem:$0xC20] =	vst v0  }
0x3a: {  	v0 =	vld.idx.msk [tilespmem:v1+s8+$0x0], $0xffff  }
0x3b: {  	v41 =	vld.idx.msk [tilespmem:v2+s8+$0x0], $0xffff;
	_ =	sdelay $0x3  }
0x3c: {  	vm8 =	vlt.u32 v42, $0x3E8;
	v44 =	vadd.s32 $0x1, v42;
	vm9 =	vlt.u32 v43, $0x3E8  }
0x3d: {  	v45 =	vadd.s32 $0x3F1, v43;
	v1 =	vnsel vm8, $0x0, v44;
	v0 =	vadd.f32 v41, v0  }
0x3e: {  	v2 =	vnsel vm9, $0x3F0, v45  }
0x3f: {  	v0 =	vadd.f32 $3.500000000e+00, v0  }
0x40: {  	v47 =	vld [tilespmem:$0x50]  }
0x41: {  	v48 =	vld [tilespmem:$0x250];
	[tilespmem:$0xC30] =	vst v0  }
0x42: {  	v0 =	vld.idx.msk [tilespmem:v1+s8+$0x0], $0xffff  }
0x43: {  	v46 =	vld.idx.msk [tilespmem:v2+s8+$0x0], $0xffff;
	_ =	sdelay $0x3  }
0x44: {  	vm10 =	vlt.u32 v47, $0x3E8;
	v49 =	vadd.s32 $0x1, v47;
	vm11 =	vlt.u32 v48, $0x3E8  }
0x45: {  	v50 =	vadd.s32 $0x3F1, v48;
	v1 =	vnsel vm10, $0x0, v49;
	v0 =	vadd.f32 v46, v0  }
0x46: {  	v2 =	vnsel vm11, $0x3F0, v50  }
0x47: {  	v0 =	vadd.f32 $3.500000000e+00, v0  }
0x48: {  	v52 =	vld [tilespmem:$0x60]  }
0x49: {  	v53 =	vld [tilespmem:$0x260];
	[tilespmem:$0xC40] =	vst v0  }
0x4a: {  	v0 =	vld.idx.msk [tilespmem:v1+s8+$0x0], $0xffff  }
0x4b: {  	v51 =	vld.idx.msk [tilespmem:v2+s8+$0x0], $0xffff;
	_ =	sdelay $0x3  }
0x4c: {  	vm12 =	vlt.u32 v52, $0x3E8;
	v54 =	vadd.s32 $0x1, v52;
	v55 =	vadd.s32 $0x3F1, v53  }
0x4d: {  	vm13 =	vlt.u32 v53, $0x3E8;
	v1 =	vnsel vm12, $0x0, v54;
	v0 =	vadd.f32 v51, v0  }
0x4e: {  	v2 =	vnsel vm13, $0x3F0, v55  }
0x4f: {  	v0 =	vadd.f32 $3.500000000e+00, v0  }
0x50: {  	v57 =	vld [tilespmem:$0x70]  }
0x51: {  	v58 =	vld [tilespmem:$0x270];
	[tilespmem:$0xC50] =	vst v0  }
0x52: {  	v0 =	vld.idx.msk [tilespmem:v1+s8+$0x0], $0xffff  }
0x53: {  	v56 =	vld.idx.msk [tilespmem:v2+s8+$0x0], $0xffff;
	_ =	sdelay $0x3  }
0x54: {  	v59 =	vadd.s32 $0x1, v57;
	v60 =	vadd.s32 $0x3F1, v58;
	vm14 =	vlt.u32 v57, $0x3E8  }
0x55: {  	vm15 =	vlt.u32 v58, $0x3E8;
	v1 =	vnsel vm14, $0x0, v59;
	v0 =	vadd.f32 v56, v0  }
0x56: {  	v2 =	vnsel vm15, $0x3F0, v60  }
0x57: {  	v0 =	vadd.f32 $3.500000000e+00, v0  }
0x58: {  	v62 =	vld [tilespmem:$0x80]  }
0x59: {  	v63 =	vld [tilespmem:$0x280];
	[tilespmem:$0xC60] =	vst v0  }
0x5a: {  	v0 =	vld.idx.msk [tilespmem:v1+s8+$0x0], $0xffff  }
0x5b: {  	v61 =	vld.idx.msk [tilespmem:v2+s8+$0x0], $0xffff;
	_ =	sdelay $0x3  }
0x5c: {  	v4 =	vadd.s32 $0x1, v62;
	v5 =	vadd.s32 $0x3F1, v63;
	vm4 =	vlt.u32 v62, $0x3E8  }
0x5d: {  	vm5 =	vlt.u32 v63, $0x3E8;
	v1 =	vnsel vm4, $0x0, v4;
	v0 =	vadd.f32 v61, v0  }
0x5e: {  	v2 =	vnsel vm5, $0x3F0, v5  }
0x5f: {  	v0 =	vadd.f32 $3.500000000e+00, v0  }
0x60: {  	v7 =	vld [tilespmem:$0x90]  }
0x61: {  	v8 =	vld [tilespmem:$0x290];
	[tilespmem:$0xC70] =	vst v0  }
0x62: {  	v0 =	vld.idx.msk [tilespmem:v1+s8+$0x0], $0xffff  }
0x63: {  	v6 =	vld.idx.msk [tilespmem:v2+s8+$0x0], $0xffff;
	_ =	sdelay $0x3  }
0x64: {  	v9 =	vadd.s32 $0x1, v7;
	v10 =	vadd.s32 $0x3F1, v8;
	vm6 =	vlt.u32 v7, $0x3E8  }
0x65: {  	vm7 =	vlt.u32 v8, $0x3E8;
	v1 =	vnsel vm6, $0x0, v9;
	v0 =	vadd.f32 v6, v0  }
0x66: {  	v2 =	vnsel vm7, $0x3F0, v10  }
0x67: {  	v0 =	vadd.f32 $3.500000000e+00, v0  }
0x68: {  	v12 =	vld [tilespmem:$0xA0]  }
0x69: {  	v13 =	vld [tilespmem:$0x2A0];
	[tilespmem:$0xC80] =	vst v0  }
0x6a: {  	v0 =	vld.idx.msk [tilespmem:v1+s8+$0x0], $0xffff  }
0x6b: {  	v11 =	vld.idx.msk [tilespmem:v2+s8+$0x0], $0xffff;
	_ =	sdelay $0x3  }
0x6c: {  	v14 =	vadd.s32 $0x1, v12;
	v15 =	vadd.s32 $0x3F1, v13;
	vm8 =	vlt.u32 v12, $0x3E8  }
0x6d: {  	vm9 =	vlt.u32 v13, $0x3E8;
	v1 =	vnsel vm8, $0x0, v14;
	v0 =	vadd.f32 v11, v0  }
0x6e: {  	v2 =	vnsel vm9, $0x3F0, v15  }
0x6f: {  	v0 =	vadd.f32 $3.500000000e+00, v0  }
0x70: {  	v17 =	vld [tilespmem:$0xB0]  }
0x71: {  	v18 =	vld [tilespmem:$0x2B0];
	[tilespmem:$0xC90] =	vst v0  }
0x72: {  	v0 =	vld.idx.msk [tilespmem:v1+s8+$0x0], $0xffff  }
0x73: {  	v16 =	vld.idx.msk [tilespmem:v2+s8+$0x0], $0xffff;
	_ =	sdelay $0x3  }
0x74: {  	v19 =	vadd.s32 $0x1, v17;
	v20 =	vadd.s32 $0x3F1, v18;
	vm10 =	vlt.u32 v17, $0x3E8  }
0x75: {  	vm11 =	vlt.u32 v18, $0x3E8;
	v1 =	vnsel vm10, $0x0, v19;
	v0 =	vadd.f32 v16, v0  }
0x76: {  	v2 =	vnsel vm11, $0x3F0, v20  }
0x77: {  	v0 =	vadd.f32 $3.500000000e+00, v0  }
0x78: {  	v22 =	vld [tilespmem:$0xC0]  }
0x79: {  	v23 =	vld [tilespmem:$0x2C0];
	[tilespmem:$0xCA0] =	vst v0  }
0x7a: {  	v0 =	vld.idx.msk [tilespmem:v1+s8+$0x0], $0xffff  }
0x7b: {  	v21 =	vld.idx.msk [tilespmem:v2+s8+$0x0], $0xffff;
	_ =	sdelay $0x3  }
0x7c: {  	v24 =	vadd.s32 $0x1, v22;
	v25 =	vadd.s32 $0x3F1, v23;
	vm12 =	vlt.u32 v22, $0x3E8  }
0x7d: {  	vm13 =	vlt.u32 v23, $0x3E8;
	v1 =	vnsel vm12, $0x0, v24;
	v0 =	vadd.f32 v21, v0  }
0x7e: {  	v2 =	vnsel vm13, $0x3F0, v25  }
0x7f: {  	v0 =	vadd.f32 $3.500000000e+00, v0  }
0x80: {  	v27 =	vld [tilespmem:$0xD0]  }
0x81: {  	v28 =	vld [tilespmem:$0x2D0];
	[tilespmem:$0xCB0] =	vst v0  }
0x82: {  	v0 =	vld.idx.msk [tilespmem:v1+s8+$0x0], $0xffff  }
0x83: {  	v26 =	vld.idx.msk [tilespmem:v2+s8+$0x0], $0xffff;
	_ =	sdelay $0x3  }
0x84: {  	v30 =	vadd.s32 $0x3F1, v28;
	v29 =	vadd.s32 $0x1, v27;
	vm14 =	vlt.u32 v27, $0x3E8  }
0x85: {  	vm15 =	vlt.u32 v28, $0x3E8;
	v1 =	vnsel vm14, $0x0, v29;
	v0 =	vadd.f32 v26, v0  }
0x86: {  	v2 =	vnsel vm15, $0x3F0, v30  }
0x87: {  	v0 =	vadd.f32 $3.500000000e+00, v0  }
0x88: {  	v32 =	vld [tilespmem:$0xE0]  }
0x89: {  	v33 =	vld [tilespmem:$0x2E0];
	[tilespmem:$0xCC0] =	vst v0  }
0x8a: {  	v0 =	vld.idx.msk [tilespmem:v1+s8+$0x0], $0xffff  }
0x8b: {  	v31 =	vld.idx.msk [tilespmem:v2+s8+$0x0], $0xffff;
	_ =	sdelay $0x3  }
0x8c: {  	v34 =	vadd.s32 $0x1, v32;
	v35 =	vadd.s32 $0x3F1, v33;
	vm4 =	vlt.u32 v32, $0x3E8  }
0x8d: {  	vm5 =	vlt.u32 v33, $0x3E8;
	v1 =	vnsel vm4, $0x0, v34;
	v0 =	vadd.f32 v31, v0  }
0x8e: {  	v2 =	vnsel vm5, $0x3F0, v35  }
0x8f: {  	v0 =	vadd.f32 $3.500000000e+00, v0  }
0x90: {  	v37 =	vld [tilespmem:$0xF0]  }
0x91: {  	v38 =	vld [tilespmem:$0x2F0];
	[tilespmem:$0xCD0] =	vst v0  }
0x92: {  	v0 =	vld.idx.msk [tilespmem:v1+s8+$0x0], $0xffff  }
0x93: {  	v36 =	vld.idx.msk [tilespmem:v2+s8+$0x0], $0xffff;
	_ =	sdelay $0x3  }
0x94: {  	v39 =	vadd.s32 $0x1, v37;
	v40 =	vadd.s32 $0x3F1, v38;
	vm6 =	vlt.u32 v37, $0x3E8  }
0x95: {  	vm7 =	vlt.u32 v38, $0x3E8;
	v1 =	vnsel vm6, $0x0, v39;
	v0 =	vadd.f32 v36, v0  }
0x96: {  	v2 =	vnsel vm7, $0x3F0, v40  }
0x97: {  	v0 =	vadd.f32 $3.500000000e+00, v0  }
0x98: {  	v42 =	vld [tilespmem:$0x100]  }
0x99: {  	v43 =	vld [tilespmem:$0x300];
	[tilespmem:$0xCE0] =	vst v0  }
0x9a: {  	v0 =	vld.idx.msk [tilespmem:v1+s8+$0x0], $0xffff  }
0x9b: {  	v41 =	vld.idx.msk [tilespmem:v2+s8+$0x0], $0xffff;
	_ =	sdelay $0x3  }
0x9c: {  	v44 =	vadd.s32 $0x1, v42;
	v45 =	vadd.s32 $0x3F1, v43;
	vm8 =	vlt.u32 v42, $0x3E8  }
0x9d: {  	vm9 =	vlt.u32 v43, $0x3E8;
	v1 =	vnsel vm8, $0x0, v44;
	v0 =	vadd.f32 v41, v0  }
0x9e: {  	v2 =	vnsel vm9, $0x3F0, v45  }
0x9f: {  	v0 =	vadd.f32 $3.500000000e+00, v0  }
0xa0: {  	v47 =	vld [tilespmem:$0x110]  }
0xa1: {  	v48 =	vld [tilespmem:$0x310];
	[tilespmem:$0xCF0] =	vst v0  }
0xa2: {  	v0 =	vld.idx.msk [tilespmem:v1+s8+$0x0], $0xffff  }
0xa3: {  	v46 =	vld.idx.msk [tilespmem:v2+s8+$0x0], $0xffff;
	_ =	sdelay $0x3  }
0xa4: {  	v49 =	vadd.s32 $0x1, v47;
	v50 =	vadd.s32 $0x3F1, v48;
	vm10 =	vlt.u32 v47, $0x3E8  }
0xa5: {  	vm11 =	vlt.u32 v48, $0x3E8;
	v1 =	vnsel vm10, $0x0, v49;
	v0 =	vadd.f32 v46, v0  }
0xa6: {  	v2 =	vnsel vm11, $0x3F0, v50  }
0xa7: {  	v0 =	vadd.f32 $3.500000000e+00, v0  }
0xa8: {  	v52 =	vld [tilespmem:$0x120]  }
0xa9: {  	v53 =	vld [tilespmem:$0x320];
	[tilespmem:$0xD00] =	vst v0  }
0xaa: {  	v0 =	vld.idx.msk [tilespmem:v1+s8+$0x0], $0xffff  }
0xab: {  	v51 =	vld.idx.msk [tilespmem:v2+s8+$0x0], $0xffff;
	_ =	sdelay $0x3  }
0xac: {  	v54 =	vadd.s32 $0x1, v52;
	v55 =	vadd.s32 $0x3F1, v53;
	vm12 =	vlt.u32 v52, $0x3E8  }
0xad: {  	vm13 =	vlt.u32 v53, $0x3E8;
	v1 =	vnsel vm12, $0x0, v54;
	v0 =	vadd.f32 v51, v0  }
0xae: {  	v2 =	vnsel vm13, $0x3F0, v55  }
0xaf: {  	v0 =	vadd.f32 $3.500000000e+00, v0  }
0xb0: {  	v58 =	vld [tilespmem:$0x330]  }
0xb1: {  	v57 =	vld [tilespmem:$0x130];
	[tilespmem:$0xD10] =	vst v0  }
0xb2: {  	v0 =	vld.idx.msk [tilespmem:v1+s8+$0x0], $0xffff  }
0xb3: {  	v56 =	vld.idx.msk [tilespmem:v2+s8+$0x0], $0xffff;
	_ =	sdelay $0x3  }
0xb4: {  	v59 =	vadd.s32 $0x1, v57;
	v60 =	vadd.s32 $0x3F1, v58;
	vm14 =	vlt.u32 v57, $0x3E8  }
0xb5: {  	vm15 =	vlt.u32 v58, $0x3E8;
	v1 =	vnsel vm14, $0x0, v59;
	v0 =	vadd.f32 v56, v0  }
0xb6: {  	v2 =	vnsel vm15, $0x3F0, v60  }
0xb7: {  	v0 =	vadd.f32 $3.500000000e+00, v0  }
0xb8: {  	v62 =	vld [tilespmem:$0x140]  }
0xb9: {  	v63 =	vld [tilespmem:$0x340];
	[tilespmem:$0xD20] =	vst v0  }
0xba: {  	v0 =	vld.idx.msk [tilespmem:v1+s8+$0x0], $0xffff  }
0xbb: {  	v61 =	vld.idx.msk [tilespmem:v2+s8+$0x0], $0xffff;
	_ =	sdelay $0x3  }
0xbc: {  	v7 =	vadd.s32 $0x3F1, v63;
	v6 =	vadd.s32 $0x1, v62;
	vm4 =	vlt.u32 v62, $0x3E8  }
0xbd: {  	vm5 =	vlt.u32 v63, $0x3E8;
	v1 =	vnsel vm4, $0x0, v6;
	v0 =	vadd.f32 v61, v0  }
0xbe: {  	v2 =	vnsel vm5, $0x3F0, v7  }
0xbf: {  	v0 =	vadd.f32 $3.500000000e+00, v0  }
0xc0: {  	v9 =	vld [tilespmem:$0x150]  }
0xc1: {  	v10 =	vld [tilespmem:$0x350];
	[tilespmem:$0xD30] =	vst v0  }
0xc2: {  	v0 =	vld.idx.msk [tilespmem:v1+s8+$0x0], $0xffff  }
0xc3: {  	v8 =	vld.idx.msk [tilespmem:v2+s8+$0x0], $0xffff;
	_ =	sdelay $0x3  }
0xc4: {  	v12 =	vadd.s32 $0x3F1, v10;
	v11 =	vadd.s32 $0x1, v9;
	vm6 =	vlt.u32 v9, $0x3E8  }
0xc5: {  	vm7 =	vlt.u32 v10, $0x3E8;
	v1 =	vnsel vm6, $0x0, v11;
	v0 =	vadd.f32 v8, v0  }
0xc6: {  	v2 =	vnsel vm7, $0x3F0, v12  }
0xc7: {  	v0 =	vadd.f32 $3.500000000e+00, v0  }
0xc8: {  	v14 =	vld [tilespmem:$0x160]  }
0xc9: {  	v15 =	vld [tilespmem:$0x360];
	[tilespmem:$0xD40] =	vst v0  }
0xca: {  	v0 =	vld.idx.msk [tilespmem:v1+s8+$0x0], $0xffff  }
0xcb: {  	v13 =	vld.idx.msk [tilespmem:v2+s8+$0x0], $0xffff;
	_ =	sdelay $0x3  }
0xcc: {  	v17 =	vadd.s32 $0x3F1, v15;
	v16 =	vadd.s32 $0x1, v14;
	vm8 =	vlt.u32 v14, $0x3E8  }
0xcd: {  	vm9 =	vlt.u32 v15, $0x3E8;
	v1 =	vnsel vm8, $0x0, v16;
	v0 =	vadd.f32 v13, v0  }
0xce: {  	v2 =	vnsel vm9, $0x3F0, v17  }
0xcf: {  	v0 =	vadd.f32 $3.500000000e+00, v0  }
0xd0: {  	v19 =	vld [tilespmem:$0x170]  }
0xd1: {  	v20 =	vld [tilespmem:$0x370];
	[tilespmem:$0xD50] =	vst v0  }
0xd2: {  	v0 =	vld.idx.msk [tilespmem:v1+s8+$0x0], $0xffff  }
0xd3: {  	v18 =	vld.idx.msk [tilespmem:v2+s8+$0x0], $0xffff;
	_ =	sdelay $0x3  }
0xd4: {  	v22 =	vadd.s32 $0x3F1, v20;
	v21 =	vadd.s32 $0x1, v19;
	vm10 =	vlt.u32 v19, $0x3E8  }
0xd5: {  	vm11 =	vlt.u32 v20, $0x3E8;
	v1 =	vnsel vm10, $0x0, v21;
	v0 =	vadd.f32 v18, v0  }
0xd6: {  	v2 =	vnsel vm11, $0x3F0, v22  }
0xd7: {  	v0 =	vadd.f32 $3.500000000e+00, v0  }
0xd8: {  	v24 =	vld [tilespmem:$0x180]  }
0xd9: {  	v25 =	vld [tilespmem:$0x380];
	[tilespmem:$0xD60] =	vst v0  }
0xda: {  	v0 =	vld.idx.msk [tilespmem:v1+s8+$0x0], $0xffff  }
0xdb: {  	v23 =	vld.idx.msk [tilespmem:v2+s8+$0x0], $0xffff;
	_ =	sdelay $0x3  }
0xdc: {  	v27 =	vadd.s32 $0x3F1, v25;
	v26 =	vadd.s32 $0x1, v24;
	vm12 =	vlt.u32 v24, $0x3E8  }
0xdd: {  	vm13 =	vlt.u32 v25, $0x3E8;
	v1 =	vnsel vm12, $0x0, v26;
	v0 =	vadd.f32 v23, v0  }
0xde: {  	v2 =	vnsel vm13, $0x3F0, v27  }
0xdf: {  	v0 =	vadd.f32 $3.500000000e+00, v0  }
0xe0: {  	v29 =	vld [tilespmem:$0x190]  }
0xe1: {  	v30 =	vld [tilespmem:$0x390];
	[tilespmem:$0xD70] =	vst v0  }
0xe2: {  	v0 =	vld.idx.msk [tilespmem:v1+s8+$0x0], $0xffff  }
0xe3: {  	v28 =	vld.idx.msk [tilespmem:v2+s8+$0x0], $0xffff;
	_ =	sdelay $0x3  }
0xe4: {  	v32 =	vadd.s32 $0x3F1, v30;
	v31 =	vadd.s32 $0x1, v29;
	vm14 =	vlt.u32 v29, $0x3E8  }
0xe5: {  	vm15 =	vlt.u32 v30, $0x3E8;
	v1 =	vnsel vm14, $0x0, v31;
	v0 =	vadd.f32 v28, v0  }
0xe6: {  	v2 =	vnsel vm15, $0x3F0, v32  }
0xe7: {  	v0 =	vadd.f32 $3.500000000e+00, v0  }
0xe8: {  	v34 =	vld [tilespmem:$0x1A0]  }
0xe9: {  	v35 =	vld [tilespmem:$0x3A0];
	[tilespmem:$0xD80] =	vst v0  }
0xea: {  	v0 =	vld.idx.msk [tilespmem:v1+s8+$0x0], $0xffff  }
0xeb: {  	v33 =	vld.idx.msk [tilespmem:v2+s8+$0x0], $0xffff;
	_ =	sdelay $0x3  }
0xec: {  	v37 =	vadd.s32 $0x3F1, v35;
	v36 =	vadd.s32 $0x1, v34;
	vm4 =	vlt.u32 v34, $0x3E8  }
0xed: {  	vm5 =	vlt.u32 v35, $0x3E8;
	v1 =	vnsel vm4, $0x0, v36;
	v0 =	vadd.f32 v33, v0  }
0xee: {  	v2 =	vnsel vm5, $0x3F0, v37  }
0xef: {  	v0 =	vadd.f32 $3.500000000e+00, v0  }
0xf0: {  	v39 =	vld [tilespmem:$0x1B0]  }
0xf1: {  	v40 =	vld [tilespmem:$0x3B0];
	[tilespmem:$0xD90] =	vst v0  }
0xf2: {  	v0 =	vld.idx.msk [tilespmem:v1+s8+$0x0], $0xffff  }
0xf3: {  	v38 =	vld.idx.msk [tilespmem:v2+s8+$0x0], $0xffff;
	_ =	sdelay $0x3  }
0xf4: {  	v42 =	vadd.s32 $0x3F1, v40;
	v41 =	vadd.s32 $0x1, v39;
	vm6 =	vlt.u32 v39, $0x3E8  }
0xf5: {  	vm7 =	vlt.u32 v40, $0x3E8;
	v1 =	vnsel vm6, $0x0, v41;
	v0 =	vadd.f32 v38, v0  }
0xf6: {  	v2 =	vnsel vm7, $0x3F0, v42  }
0xf7: {  	v0 =	vadd.f32 $3.500000000e+00, v0  }
0xf8: {  	v44 =	vld [tilespmem:$0x1C0]  }
0xf9: {  	v45 =	vld [tilespmem:$0x3C0];
	[tilespmem:$0xDA0] =	vst v0  }
0xfa: {  	v0 =	vld.idx.msk [tilespmem:v1+s8+$0x0], $0xffff  }
0xfb: {  	v43 =	vld.idx.msk [tilespmem:v2+s8+$0x0], $0xffff;
	_ =	sdelay $0x3  }
0xfc: {  	v47 =	vadd.s32 $0x3F1, v45;
	v46 =	vadd.s32 $0x1, v44;
	vm8 =	vlt.u32 v44, $0x3E8  }
0xfd: {  	vm9 =	vlt.u32 v45, $0x3E8;
	v1 =	vnsel vm8, $0x0, v46;
	v0 =	vadd.f32 v43, v0  }
0xfe: {  	v2 =	vnsel vm9, $0x3F0, v47  }
0xff: {  	v0 =	vadd.f32 $3.500000000e+00, v0  }
0x100: {  	v49 =	vld [tilespmem:$0x1D0]  }
0x101: {  	v50 =	vld [tilespmem:$0x3D0];
	[tilespmem:$0xDB0] =	vst v0  }
0x102: {  	v0 =	vld.idx.msk [tilespmem:v1+s8+$0x0], $0xffff  }
0x103: {  	v48 =	vld.idx.msk [tilespmem:v2+s8+$0x0], $0xffff;
	_ =	sdelay $0x3  }
0x104: {  	v52 =	vadd.s32 $0x3F1, v50;
	v51 =	vadd.s32 $0x1, v49;
	vm10 =	vlt.u32 v49, $0x3E8  }
0x105: {  	vm11 =	vlt.u32 v50, $0x3E8;
	v1 =	vnsel vm10, $0x0, v51;
	v0 =	vadd.f32 v48, v0  }
0x106: {  	v2 =	vnsel vm11, $0x3F0, v52  }
0x107: {  	v0 =	vadd.f32 $3.500000000e+00, v0  }
0x108: {  	v54 =	vld [tilespmem:$0x1E0]  }
0x109: {  	v55 =	vld [tilespmem:$0x3E0];
	[tilespmem:$0xDC0] =	vst v0  }
0x10a: {  	v0 =	vld.idx.msk [tilespmem:v1+s8+$0x0], $0xffff  }
0x10b: {  	v53 =	vld.idx.msk [tilespmem:v2+s8+$0x0], $0xffff;
	_ =	sdelay $0x3  }
0x10c: {  	v57 =	vadd.s32 $0x3F1, v55;
	v56 =	vadd.s32 $0x1, v54;
	vm12 =	vlt.u32 v54, $0x3E8  }
0x10d: {  	vm13 =	vlt.u32 v55, $0x3E8;
	v1 =	vnsel vm12, $0x0, v56;
	v0 =	vadd.f32 v53, v0  }
0x10e: {  	v2 =	vnsel vm13, $0x3F0, v57  }
0x10f: {  	v0 =	vadd.f32 $3.500000000e+00, v0  }
0x110: {  	v59 =	vld [tilespmem:$0x1F0]  }
0x111: {  	v60 =	vld [tilespmem:$0x3F0];
	[tilespmem:$0xDD0] =	vst v0  }
0x112: {  	v0 =	vld.idx.msk [tilespmem:v1+s8+$0x0], $0xffff  }
0x113: {  	v58 =	vld.idx.msk [tilespmem:v2+s8+$0x0], $0xffff;
	_ =	sdelay $0x3  }
0x114: {  	v62 =	vadd.s32 $0x3F1, v60;
	v61 =	vadd.s32 $0x1, v59;
	vm14 =	vlt.u32 v59, $0x3E8  }
0x115: {  	vm15 =	vlt.u32 v60, $0x3E8;
	v1 =	vnsel vm14, $0x0, v61;
	v0 =	vadd.f32 v58, v0  }
0x116: {  	v2 =	vnsel vm15, $0x3F0, v62  }
0x117: {  	v0 =	vadd.f32 $3.500000000e+00, v0;
	_ =	sdelay $0x1  }
0x118: {  	[tilespmem:$0xDE0] =	vst v0  }
0x119: {  	v0 =	vld.idx.msk [tilespmem:v1+s8+$0x0], $0xffff  }
0x11a: {  	v63 =	vld.idx.msk [tilespmem:v2+s8+$0x0], $0xffff;
	_ =	sdelay $0x4  }
0x11b: {  	v0 =	vadd.f32 v63, v0;
	_ =	sdelay $0x1  }
0x11c: {  	v0 =	vadd.f32 $3.500000000e+00, v0  }
0x11d: {  	p0 =	sne.s32 s7, $0x1  }
.Ltmp0:
0x11e: {  	[tilespmem:$0xDF0] =	vst v0;
	(pc) =	sbr.rel @p0 .LBB2_1-.Ltmp0, $4  }
0x11f: {  	[hbm4b:s6+s1] =	stream.linear.scatter [tilespmem:s11], [sflag:$0x2], $0x200, $0x38;
	[tilespmem:$0xE00] =	vst v63  }
0x120: {  	_ =	swait.ge [sflag:s12], $0x200  }
0x121: {  	[sflag:s12] =	ssyncset.done $0x0  }
0x122: {  	s7 =	sadd.s32 $0xFFFFFFFF, s7;
	[sflag:s12] =	ssyncadd.s32 $0xFFFFFE00  }
0x123: {  	_ =	sfence.sel $0x180000  }
0x124: {  	[bflag:$0x0] =	sbarrier.arrive $0xFFFF  }
0x125: {  	p0 =	sne.s32 s2, $0x0;
	_ =	strace $0x90000047  }
0x126: {  	s0 =	sadd.s32 @!p0 $0x100000, s0;
	[bflag:$0x2] =	sbarrier.arrive $0xFFFF  }
0x127: {  	[sflag:s0] =	ssyncadd.tile.s32 @!p0 $0x1;
	_ =	shalt  }
.Lfunc_end2:
_tile_overlayer_lowered:
.L_overlay_start_2:
0x128: {  	(tag) =	ssettag $0x2  }
0x129: {  	s0 =	rddreg [dreg:$0x0];
	s2 =	stileid.u32  }
0x12a: {  	s1 =	rddreg [dreg:$0x1];
	p0 =	sne.s32 s2, $0x0  }
0x12b: {  	s3 =	rddreg [dreg:$0x2];
	[bflag:$0x3] =	sbarrier.arrive $0xFFFF;
	s2 =	simm.s32 @!p0 $0x1C02  }
0x12c: {  	[timem:s3], [sflag:s2] =	dma.local @!p0 [hbm:s0], s1  }
0x12d: {  	s0 =	simm.s32 @!p0 $0x2  }
0x12e: {  	_ =	swait.ge @!p0 [sflag:s0], s1  }
0x12f: {  	s1 =	ssub.s32 @!p0 $0x0, s1;
	[sflag:s0] =	ssyncset.done @!p0 $0x0  }
0x130: {  	[sflag:s0] =	ssyncadd.s32 @!p0 s1  }
0x131: {  	[bflag:$0x3] =	sbarrier.arrive $0xFFFF  }
0x132: {  	_ =	shalt  }

</sc_bundles>
